<compile_context>
chip_gen: v7x
topology: tpu7x:2x2x1
jax: 0.10.2.dev20260603
libtpu: 0.0.44.dev20260713+nightly
codegen_flags: <defaults>
</compile_context>

<pallas_src>
import functools

import jax
import jax.numpy as jnp
from jax import lax
from jax.experimental import pallas as pl
from jax.experimental.pallas import tpu as pltpu
from jax.experimental.pallas import tpu_sc as plsc

COMP_RATIO = 0.5


def _reduce_select_body(nqb, k, ch, a1_ref, a2_ref, idx_ref, acc_ref):
    i = pl.program_id(0)
    a_full = jnp.concatenate([a1_ref[...], a2_ref[...]], axis=0)
    nh = a_full.shape[0]
    mh = jnp.sum(a_full, axis=0) / nh
    part = jnp.sum(mh, axis=0, keepdims=True)

    @pl.when(i == 0)
    def _init():
        acc_ref[...] = jnp.zeros_like(acc_ref)

    acc_ref[...] += part

    @pl.when(i == nqb - 1)
    def _fini():
        s_row = acc_ref[...] / float(a1_ref.shape[1] * nqb)
        _select_block(s_row, k, ch, idx_ref)


def _reduce_select(att, k):
    h, s, _ = att.shape
    qb = 64
    nqb = s // qb
    return pl.pallas_call(
        functools.partial(_reduce_select_body, nqb, k, 256),
        grid=(nqb,),
        in_specs=[
            pl.BlockSpec((h // 2, qb, s), lambda i: (0, i, 0)),
            pl.BlockSpec((h // 2, qb, s), lambda i: (1, i, 0)),
        ],
        out_specs=pl.BlockSpec((1, k), lambda i: (0, 0)),
        out_shape=jax.ShapeDtypeStruct((1, k), jnp.int32),
        scratch_shapes=[pltpu.VMEM((1, s), jnp.float32)],
    )(att, att)



def _select_block(s_row, k, ch, idx_ref):
    seq = s_row.shape[1]
    nch = seq // ch
    lane = lax.broadcasted_iota(jnp.int32, (ch, seq), 1)
    row = lax.broadcasted_iota(jnp.int32, (ch, seq), 0)
    gcol = lax.broadcasted_iota(jnp.int32, (ch, 1), 0).astype(jnp.float32)
    slot = lax.broadcasted_iota(jnp.int32, (1, k), 1).astype(jnp.float32)
    r_tri = lax.broadcasted_iota(jnp.int32, (ch, ch), 0)
    c_tri = lax.broadcasted_iota(jnp.int32, (ch, ch), 1)
    tri = (c_tri <= r_tri).astype(jnp.float32)

    acc = jnp.zeros((1, k), jnp.float32)
    carry = jnp.float32(0.0)
    for c in range(nch):
        base = c * ch
        gi = row + base
        ident = (lane == gi).astype(jnp.float32)
        s_col = lax.dot_general(ident, s_row,
                                (((1,), (1,)), ((), ())),
                                precision=lax.Precision.HIGHEST)
        gt = (s_row > s_col).astype(jnp.float32)
        eq_lt = ((s_row == s_col) & (lane < gi)).astype(jnp.float32)
        rank = jnp.sum(gt + eq_lt, axis=1, keepdims=True)
        m_col = (rank < float(k)).astype(jnp.float32)
        incl = lax.dot_general(tri, m_col,
                               (((1,), (0,)), ((), ())))
        dest = incl - 1.0 + carry
        carry = carry + jnp.sum(m_col)
        onehot = (dest == slot).astype(jnp.float32) * m_col
        acc = (acc
               + lax.dot_general(gcol, onehot, (((0,), (0,)), ((), ())))
               + float(base) * jnp.sum(onehot, axis=0, keepdims=True))
    idx_ref[...] = acc.astype(jnp.int32)



_NC, _NS = 2, 16
_NW = _NC * _NS


def _gather_sc_body(rpw, emb_hbm, idx_hbm, out_hbm, idx_v, rows_v, sem):
    wid = lax.axis_index("s") * _NC + lax.axis_index("c")
    base = wid * rpw
    pltpu.sync_copy(idx_hbm.at[pl.ds(base, rpw)], idx_v)
    pltpu.async_copy(emb_hbm.at[idx_v], rows_v, sem).wait()
    pltpu.sync_copy(rows_v, out_hbm.at[pl.ds(base, rpw)])


def _gather(emb2d, idx1d):
    k = idx1d.shape[0]
    d = emb2d.shape[1]
    rpw = k // _NW
    mesh = plsc.VectorSubcoreMesh(core_axis_name="c", subcore_axis_name="s")
    return pl.kernel(
        functools.partial(_gather_sc_body, rpw),
        out_type=jax.ShapeDtypeStruct((k, d), jnp.float32),
        mesh=mesh,
        scratch_types=[
            pltpu.VMEM((rpw,), jnp.int32),
            pltpu.VMEM((rpw, d), jnp.float32),
            pltpu.SemaphoreType.DMA,
        ],
    )(emb2d, idx1d)



def kernel(context_embeddings, attention_weights):
    b, s, d = context_embeddings.shape
    h = attention_weights.shape[1]
    k = max(1, int(s * COMP_RATIO))
    emb = context_embeddings.reshape(s, d)
    att = attention_weights.reshape(h, s, s)
    idx = _reduce_select(att, k)
    out = _gather(emb, idx.reshape(k))
    return out.reshape(b, k, d)

# --- scband reference (transcript-rebuilt; emitter-appended) ---
"""Pipeline reference for scband-attention-based-compression-26792005992765 (READ-ONLY COPY).

The authoritative reference and input builder live on the scoring server;
editing this copy changes nothing except your own understanding.
"""

import jax, jax.numpy as jnp
import numpy as np

COMPRESSION_RATIO = 0.5

def setup_inputs(seed: int = 0) -> dict:
    key = jax.random.key(seed)
    k1, k2 = jax.random.split(key)
    context_embeddings = jax.random.normal(k1, (1, 2048, 1024), dtype=jnp.float32)
    attention_weights = jax.random.uniform(k2, (1, 12, 2048, 2048), dtype=jnp.float32)
    return {"context_embeddings": context_embeddings, "attention_weights": attention_weights}

def reference(context_embeddings, attention_weights):
    batch_size, seq_len, emb_dim = context_embeddings.shape
    # avg over heads, then over query positions -> per key-position importance
    avg_attention = attention_weights.mean(axis=1).mean(axis=1)  # (B, S)
    k = max(1, int(seq_len * COMPRESSION_RATIO))
    topk_values, topk_indices = jax.lax.top_k(avg_attention, k)
    topk_indices_sorted = jnp.sort(topk_indices, axis=1)  # (B, k)
    compressed = jnp.take_along_axis(
        context_embeddings, topk_indices_sorted[:, :, None], axis=1
    )  # (B, k, D)
    return compressed

if __name__ == "__main__":
    import jax
    _d = setup_inputs()
    print(jax.jit(kernel)(*tuple(_d.values())))

</pallas_src>

<mosaic_0001>
#map = affine_map<(d0, d1) -> (0, 0)>
#map1 = affine_map<(d0, d1) -> (0)>
module attributes {stable_mosaic.version = 14 : i64} {
  func.func @_gather_sc_body(%arg0: i32, %arg1: i32, %arg2: memref<2048x1024xf32, #tpu.memory_space<hbm>>, %arg3: memref<1024xi32, #tpu.memory_space<hbm>>, %arg4: memref<1024x1024xf32, #tpu.memory_space<hbm>>, %arg5: memref<32xi32, #tpu.memory_space<vmem>>, %arg6: memref<32x1024xf32, #tpu.memory_space<vmem>>, %arg7: memref<!tpu.dma_semaphore, #tpu.memory_space<semaphore_mem>>) attributes {dimension_semantics = [#tpu.dimension_semantics<core_parallel>, #tpu.dimension_semantics<subcore_parallel>], iteration_bounds = array<i64: 2, 16>, scalar_prefetch = 0 : i64, scratch_operands = 3 : i64, tpu.core_type = #tpu.core_type<sc_vector_subcore>, window_params = [{transform_indices = #map}, {transform_indices = #map1}, {transform_indices = #map}]} {
    %mul3A = arith.constant 2 : i32
    %mul3A_0 = arith.muli %arg1, %mul3A : i32
    %add3A = arith.addi %mul3A_0, %arg0 : i32
    %mul3A_1 = arith.constant 32 : i32
    %mul3A_2 = arith.muli %add3A, %mul3A_1 : i32
    "tpu.region"() ({
      %run_scoped3A = tpu.sem_alloc : memref<!tpu.dma_semaphore, #tpu.memory_space<semaphore_mem>>
      %dma_start3A_7 = tpu.memref_slice %arg3[%mul3A_2] : memref<1024xi32, #tpu.memory_space<hbm>> -> memref<32xi32, #tpu.memory_space<hbm>>
      %dma_start3A_8 = tpu.memref_slice %arg3[%mul3A_2] : memref<1024xi32, #tpu.memory_space<hbm>> -> memref<32xi32, #tpu.memory_space<hbm>>
      tpu.enqueue_dma source(%dma_start3A_8 : memref<32xi32, #tpu.memory_space<hbm>>) target(%arg5 : memref<32xi32, #tpu.memory_space<vmem>>) target_semaphore(%run_scoped3A : memref<!tpu.dma_semaphore, #tpu.memory_space<semaphore_mem>>)
      %dma_wait3A_9 = tpu.memref_slice %arg3[%mul3A_2] : memref<1024xi32, #tpu.memory_space<hbm>> -> memref<32xi32, #tpu.memory_space<hbm>>
      %dma_wait3A_10 = tpu.memref_slice %arg3[%mul3A_2] : memref<1024xi32, #tpu.memory_space<hbm>> -> memref<32xi32, #tpu.memory_space<hbm>>
      tpu.wait_dma2 semaphore(%run_scoped3A : memref<!tpu.dma_semaphore, #tpu.memory_space<semaphore_mem>>) src(%dma_wait3A_10 : memref<32xi32, #tpu.memory_space<hbm>>) dst(%arg5 : memref<32xi32, #tpu.memory_space<vmem>>)
      tpu.yield
    }) : () -> ()
    %dma_start3A = arith.constant 0 : i32
    %dma_start3A_3 = arith.constant 0 : i32
    %dma_start3A_4 = tpu.memref_slice %arg2[%dma_start3A, %dma_start3A_3] : memref<2048x1024xf32, #tpu.memory_space<hbm>> -> memref<2048x1024xf32, #tpu.memory_space<hbm>>
    tpu.enqueue_indirect_dma source(%dma_start3A_4 : memref<2048x1024xf32, #tpu.memory_space<hbm>>) target(%arg6 : memref<32x1024xf32, #tpu.memory_space<vmem>>) offsets(%arg5 : memref<32xi32, #tpu.memory_space<vmem>>) semaphore(%arg7 : memref<!tpu.dma_semaphore, #tpu.memory_space<semaphore_mem>>)
    %dma_wait3A = arith.constant 0 : i32
    %dma_wait3A_5 = arith.constant 0 : i32
    %dma_wait3A_6 = tpu.memref_slice %arg2[%dma_wait3A, %dma_wait3A_5] : memref<2048x1024xf32, #tpu.memory_space<hbm>> -> memref<2048x1024xf32, #tpu.memory_space<hbm>>
    tpu.wait_indirect_dma semaphore(%arg7 : memref<!tpu.dma_semaphore, #tpu.memory_space<semaphore_mem>>) src(%dma_wait3A_6 : memref<2048x1024xf32, #tpu.memory_space<hbm>>) dst(%arg6 : memref<32x1024xf32, #tpu.memory_space<vmem>>)
    "tpu.region"() ({
      %run_scoped3A = tpu.sem_alloc : memref<!tpu.dma_semaphore, #tpu.memory_space<semaphore_mem>>
      %dma_start3A_7 = arith.constant 0 : i32
      %dma_start3A_8 = tpu.memref_slice %arg4[%mul3A_2, %dma_start3A_7] : memref<1024x1024xf32, #tpu.memory_space<hbm>> -> memref<32x1024xf32, #tpu.memory_space<hbm>>
      %dma_start3A_9 = arith.constant 0 : i32
      %dma_start3A_10 = tpu.memref_slice %arg4[%mul3A_2, %dma_start3A_9] : memref<1024x1024xf32, #tpu.memory_space<hbm>> -> memref<32x1024xf32, #tpu.memory_space<hbm>>
      tpu.enqueue_dma source(%arg6 : memref<32x1024xf32, #tpu.memory_space<vmem>>) target(%dma_start3A_10 : memref<32x1024xf32, #tpu.memory_space<hbm>>) target_semaphore(%run_scoped3A : memref<!tpu.dma_semaphore, #tpu.memory_space<semaphore_mem>>)
      %dma_wait3A_11 = arith.constant 0 : i32
      %dma_wait3A_12 = tpu.memref_slice %arg4[%mul3A_2, %dma_wait3A_11] : memref<1024x1024xf32, #tpu.memory_space<hbm>> -> memref<32x1024xf32, #tpu.memory_space<hbm>>
      %dma_wait3A_13 = arith.constant 0 : i32
      %dma_wait3A_14 = tpu.memref_slice %arg4[%mul3A_2, %dma_wait3A_13] : memref<1024x1024xf32, #tpu.memory_space<hbm>> -> memref<32x1024xf32, #tpu.memory_space<hbm>>
      tpu.wait_dma2 semaphore(%run_scoped3A : memref<!tpu.dma_semaphore, #tpu.memory_space<semaphore_mem>>) src(%arg6 : memref<32x1024xf32, #tpu.memory_space<vmem>>) dst(%dma_wait3A_14 : memref<32x1024xf32, #tpu.memory_space<hbm>>)
      tpu.yield
    }) : () -> ()
    return
  }
}

module attributes {stable_mosaic.version = 14 : i64} {
  func.func @_reduce_select_body(%arg0: i32, %arg1: memref<6x64x2048xf32, #tpu.memory_space<vmem>>, %arg2: memref<6x64x2048xf32, #tpu.memory_space<vmem>>, %arg3: memref<1x1024xi32, #tpu.memory_space<vmem>>, %arg4: memref<1x2048xf32, #tpu.memory_space<vmem>>) attributes {dimension_semantics = [#tpu.dimension_semantics<arbitrary>], iteration_bounds = array<i64: 32>, scalar_prefetch = 0 : i64, scratch_operands = 1 : i64, tpu.core_type = #tpu.core_type<tc>, window_params = [{transform_indices = @transform_0, window_bounds = array<i64: 6, 64, 2048>}, {transform_indices = @transform_1, window_bounds = array<i64: 6, 64, 2048>}, {pipeline_mode = #tpu.pipeline_mode<synchronous>, transform_indices = @transform_2, window_bounds = array<i64: 1, 1024>}]} {
    %get3A = arith.constant 0 : index
    %get3A_0 = arith.constant 0 : index
    %get3A_1 = arith.constant 0 : index
    %get3A_2 = vector.load %arg1[%get3A, %get3A_0, %get3A_1] : memref<6x64x2048xf32, #tpu.memory_space<vmem>>, vector<6x64x2048xf32>
    %get3A_3 = arith.constant 0 : index
    %get3A_4 = arith.constant 0 : index
    %get3A_5 = arith.constant 0 : index
    %get3A_6 = vector.load %arg2[%get3A_3, %get3A_4, %get3A_5] : memref<6x64x2048xf32, #tpu.memory_space<vmem>>, vector<6x64x2048xf32>
    %concatenate3A = tpu.concatenate %get3A_2, %get3A_6 in 0 : vector<6x64x2048xf32>, vector<6x64x2048xf32> -> vector<12x64x2048xf32>
    %reduce_sum3A = arith.constant dense<0.000000e+00> : vector<64x2048xf32>
    %reduce_sum3A_7 = vector.multi_reduction <add>, %concatenate3A, %reduce_sum3A [0] : vector<12x64x2048xf32> to vector<64x2048xf32>
    %div3A = arith.constant 1.200000e+01 : f32
    %div3A_8 = vector.broadcast %div3A : f32 to vector<64x2048xf32>
    %div3A_9 = arith.divf %reduce_sum3A_7, %div3A_8 : vector<64x2048xf32>
    %reduce_sum3A_10 = arith.constant dense<0.000000e+00> : vector<2048xf32>
    %reduce_sum3A_11 = vector.multi_reduction <add>, %div3A_9, %reduce_sum3A_10 [0] : vector<64x2048xf32> to vector<2048xf32>
    %broadcast_in_dim3A = vector.shape_cast %reduce_sum3A_11 : vector<2048xf32> to vector<1x2048xf32>
    %eq3A = arith.constant 0 : i32
    %eq3A_12 = arith.cmpi eq, %arg0, %eq3A : i32
    %convert_element_type3A = arith.extui %eq3A_12 : i1 to i32
    %cond3A = arith.constant 0 : i32
    %cond3A_13 = arith.cmpi ne, %convert_element_type3A, %cond3A : i32
    scf.if %cond3A_13 {
      %broadcast_in_dim3A_24 = arith.constant 0.000000e+00 : f32
      %broadcast_in_dim3A_25 = vector.broadcast %broadcast_in_dim3A_24 : f32 to vector<1x2048xf32>
      %swap3A_26 = arith.constant 0 : index
      %swap3A_27 = arith.constant 0 : index
      %swap3A_28 = vector.load %arg4[%swap3A_26, %swap3A_27] : memref<1x2048xf32, #tpu.memory_space<vmem>>, vector<1x2048xf32>
      tpu.vector_store %arg4[%swap3A_26, %swap3A_27], %broadcast_in_dim3A_25 {strides = array<i32>} : memref<1x2048xf32, #tpu.memory_space<vmem>>, vector<1x2048xf32>,
    } else {
    }
    %get3A_14 = arith.constant 0 : index
    %get3A_15 = arith.constant 0 : index
    %get3A_16 = vector.load %arg4[%get3A_14, %get3A_15] : memref<1x2048xf32, #tpu.memory_space<vmem>>, vector<1x2048xf32>
    %add3A = arith.addf %get3A_16, %broadcast_in_dim3A : vector<1x2048xf32>
    %swap3A = arith.constant 0 : index
    %swap3A_17 = arith.constant 0 : index
    %swap3A_18 = vector.load %arg4[%swap3A, %swap3A_17] : memref<1x2048xf32, #tpu.memory_space<vmem>>, vector<1x2048xf32>
    tpu.vector_store %arg4[%swap3A, %swap3A_17], %add3A {strides = array<i32>} : memref<1x2048xf32, #tpu.memory_space<vmem>>, vector<1x2048xf32>,
    %eq3A_19 = arith.constant 31 : i32
    %eq3A_20 = arith.cmpi eq, %arg0, %eq3A_19 : i32
    %convert_element_type3A_21 = arith.extui %eq3A_20 : i1 to i32
    %cond3A_22 = arith.constant 0 : i32
    %cond3A_23 = arith.cmpi ne, %convert_element_type3A_21, %cond3A_22 : i32
    scf.if %cond3A_23 {
      %get3A_24 = arith.constant 0 : index
      %get3A_25 = arith.constant 0 : index
      %get3A_26 = vector.load %arg4[%get3A_24, %get3A_25] : memref<1x2048xf32, #tpu.memory_space<vmem>>, vector<1x2048xf32>
      %div3A_27 = arith.constant 2.048000e+03 : f32
      %div3A_28 = vector.broadcast %div3A_27 : f32 to vector<1x2048xf32>
      %div3A_29 = arith.divf %get3A_26, %div3A_28 : vector<1x2048xf32>
      %iota3A = tpu.iota {dimensions = array<i32: 1>} : vector<256x2048xi32>
      %iota3A_30 = tpu.iota {dimensions = array<i32: 0>} : vector<256x2048xi32>
      %iota3A_31 = tpu.iota {dimensions = array<i32: 0>} : vector<256x1xi32>
      %convert_element_type3A_32 = arith.sitofp %iota3A_31 : vector<256x1xi32> to vector<256x1xf32>
      %iota3A_33 = tpu.iota {dimensions = array<i32: 1>} : vector<1x1024xi32>
      %convert_element_type3A_34 = arith.sitofp %iota3A_33 : vector<1x1024xi32> to vector<1x1024xf32>
      %iota3A_35 = tpu.iota {dimensions = array<i32: 0>} : vector<256x256xi32>
      %iota3A_36 = tpu.iota {dimensions = array<i32: 1>} : vector<256x256xi32>
      %le3A = arith.cmpi sle, %iota3A_36, %iota3A_35 : vector<256x256xi32>
      %convert_element_type3A_37 = arith.extui %le3A : vector<256x256xi1> to vector<256x256xi32>
      %convert_element_type3A_38 = arith.sitofp %convert_element_type3A_37 : vector<256x256xi32> to vector<256x256xf32>
      %broadcast_in_dim3A_39 = arith.constant 0.000000e+00 : f32
      %broadcast_in_dim3A_40 = vector.broadcast %broadcast_in_dim3A_39 : f32 to vector<1x1024xf32>
      %add3A_41 = arith.constant 0 : i32
      %add3A_42 = vector.broadcast %add3A_41 : i32 to vector<256x2048xi32>
      %add3A_43 = arith.addi %iota3A_30, %add3A_42 : vector<256x2048xi32>
      %eq3A_44 = arith.cmpi eq, %iota3A, %add3A_43 : vector<256x2048xi32>
      %convert_element_type3A_45 = arith.extui %eq3A_44 : vector<256x2048xi1> to vector<256x2048xi32>
      %convert_element_type3A_46 = arith.sitofp %convert_element_type3A_45 : vector<256x2048xi32> to vector<256x2048xf32>
      %dot_general3A = arith.constant dense<0.000000e+00> : vector<256x1xf32>
      %dot_general3A_47 = tpu.matmul %convert_element_type3A_46, %div3A_29, %dot_general3A {dimension_numbers = #tpu.dot_dimension_numbers<[1], [1], [0], [0], [0, 0, 1, 0], [], []>, precision = #tpu.contract_precision<fp32>, transpose_lhs_hint = false} : vector<256x2048xf32>, vector<1x2048xf32>, vector<256x1xf32> -> vector<256x1xf32>
      %gt3A = vector.broadcast %div3A_29 : vector<1x2048xf32> to vector<256x2048xf32>
      %gt3A_48 = vector.broadcast %dot_general3A_47 : vector<256x1xf32> to vector<256x2048xf32>
      %gt3A_49 = arith.cmpf ogt, %gt3A, %gt3A_48 : vector<256x2048xf32>
      %convert_element_type3A_50 = arith.extui %gt3A_49 : vector<256x2048xi1> to vector<256x2048xi32>
      %convert_element_type3A_51 = arith.sitofp %convert_element_type3A_50 : vector<256x2048xi32> to vector<256x2048xf32>
      %eq3A_52 = vector.broadcast %div3A_29 : vector<1x2048xf32> to vector<256x2048xf32>
      %eq3A_53 = vector.broadcast %dot_general3A_47 : vector<256x1xf32> to vector<256x2048xf32>
      %eq3A_54 = arith.cmpf oeq, %eq3A_52, %eq3A_53 : vector<256x2048xf32>
      %lt3A = arith.cmpi slt, %iota3A, %add3A_43 : vector<256x2048xi32>
      %and3A = arith.andi %eq3A_54, %lt3A : vector<256x2048xi1>
      %convert_element_type3A_55 = arith.extui %and3A : vector<256x2048xi1> to vector<256x2048xi32>
      %convert_element_type3A_56 = arith.sitofp %convert_element_type3A_55 : vector<256x2048xi32> to vector<256x2048xf32>
      %add3A_57 = arith.addf %convert_element_type3A_51, %convert_element_type3A_56 : vector<256x2048xf32>
      %reduce_sum3A_58 = arith.constant dense<0.000000e+00> : vector<256xf32>
      %reduce_sum3A_59 = vector.multi_reduction <add>, %add3A_57, %reduce_sum3A_58 [1] : vector<256x2048xf32> to vector<256xf32>
      %broadcast_in_dim3A_60 = vector.shape_cast %reduce_sum3A_59 : vector<256xf32> to vector<256x1xf32>
      %lt3A_61 = arith.constant 1.024000e+03 : f32
      %lt3A_62 = vector.broadcast %lt3A_61 : f32 to vector<256x1xf32>
      %lt3A_63 = arith.cmpf olt, %broadcast_in_dim3A_60, %lt3A_62 : vector<256x1xf32>
      %convert_element_type3A_64 = arith.extui %lt3A_63 : vector<256x1xi1> to vector<256x1xi32>
      %convert_element_type3A_65 = arith.sitofp %convert_element_type3A_64 : vector<256x1xi32> to vector<256x1xf32>
      %dot_general3A_66 = arith.constant dense<0.000000e+00> : vector<256x1xf32>
      %dot_general3A_67 = tpu.matmul %convert_element_type3A_38, %convert_element_type3A_65, %dot_general3A_66 {dimension_numbers = #tpu.dot_dimension_numbers<[1], [0], [0], [1], [0, 0, 1, 1], [], []>, transpose_lhs_hint = false} : vector<256x256xf32>, vector<256x1xf32>, vector<256x1xf32> -> vector<256x1xf32>
      %sub3A = arith.constant 1.000000e+00 : f32
      %sub3A_68 = vector.broadcast %sub3A : f32 to vector<256x1xf32>
      %sub3A_69 = arith.subf %dot_general3A_67, %sub3A_68 : vector<256x1xf32>
      %add3A_70 = arith.constant 0.000000e+00 : f32
      %add3A_71 = vector.broadcast %add3A_70 : f32 to vector<256x1xf32>
      %add3A_72 = arith.addf %sub3A_69, %add3A_71 : vector<256x1xf32>
      %reduce_sum3A_73 = vector.shape_cast %convert_element_type3A_65 : vector<256x1xf32> to vector<1x256x1xf32>
      %reduce_sum3A_74 = arith.constant dense<0.000000e+00> : vector<1xf32>
      %reduce_sum3A_75 = vector.multi_reduction <add>, %reduce_sum3A_73, %reduce_sum3A_74 [1, 2] : vector<1x256x1xf32> to vector<1xf32>
      %reduce_sum3A_76 = vector.shape_cast %reduce_sum3A_75 : vector<1xf32> to vector<1x1x1xf32>
      %reduce_sum3A_77 = vector.extract %reduce_sum3A_76[0, 0, 0] : f32 from vector<1x1x1xf32>
      %add3A_78 = arith.constant 0.000000e+00 : f32
      %add3A_79 = arith.addf %add3A_78, %reduce_sum3A_77 : f32
      %eq3A_80 = vector.broadcast %add3A_72 : vector<256x1xf32> to vector<256x1024xf32>
      %eq3A_81 = vector.broadcast %convert_element_type3A_34 : vector<1x1024xf32> to vector<256x1024xf32>
      %eq3A_82 = arith.cmpf oeq, %eq3A_80, %eq3A_81 : vector<256x1024xf32>
      %convert_element_type3A_83 = arith.extui %eq3A_82 : vector<256x1024xi1> to vector<256x1024xi32>
      %convert_element_type3A_84 = arith.sitofp %convert_element_type3A_83 : vector<256x1024xi32> to vector<256x1024xf32>
      %mul3A = vector.broadcast %convert_element_type3A_65 : vector<256x1xf32> to vector<256x1024xf32>
      %mul3A_85 = arith.mulf %convert_element_type3A_84, %mul3A : vector<256x1024xf32>
      %dot_general3A_86 = arith.constant dense<0.000000e+00> : vector<1x1024xf32>
      %dot_general3A_87 = tpu.matmul %convert_element_type3A_32, %mul3A_85, %dot_general3A_86 {dimension_numbers = #tpu.dot_dimension_numbers<[0], [0], [1], [1], [0, 1, 1, 1], [], []>, transpose_lhs_hint = false} : vector<256x1xf32>, vector<256x1024xf32>, vector<1x1024xf32> -> vector<1x1024xf32>
      %add3A_88 = arith.addf %broadcast_in_dim3A_40, %dot_general3A_87 : vector<1x1024xf32>
      %reduce_sum3A_89 = arith.constant dense<0.000000e+00> : vector<1024xf32>
      %reduce_sum3A_90 = vector.multi_reduction <add>, %mul3A_85, %reduce_sum3A_89 [0] : vector<256x1024xf32> to vector<1024xf32>
      %broadcast_in_dim3A_91 = vector.shape_cast %reduce_sum3A_90 : vector<1024xf32> to vector<1x1024xf32>
      %mul3A_92 = arith.constant 0.000000e+00 : f32
      %mul3A_93 = vector.broadcast %mul3A_92 : f32 to vector<1x1024xf32>
      %mul3A_94 = arith.mulf %mul3A_93, %broadcast_in_dim3A_91 : vector<1x1024xf32>
      %add3A_95 = arith.addf %add3A_88, %mul3A_94 : vector<1x1024xf32>
      %add3A_96 = arith.constant 256 : i32
      %add3A_97 = vector.broadcast %add3A_96 : i32 to vector<256x2048xi32>
      %add3A_98 = arith.addi %iota3A_30, %add3A_97 : vector<256x2048xi32>
      %eq3A_99 = arith.cmpi eq, %iota3A, %add3A_98 : vector<256x2048xi32>
      %convert_element_type3A_100 = arith.extui %eq3A_99 : vector<256x2048xi1> to vector<256x2048xi32>
      %convert_element_type3A_101 = arith.sitofp %convert_element_type3A_100 : vector<256x2048xi32> to vector<256x2048xf32>
      %dot_general3A_102 = arith.constant dense<0.000000e+00> : vector<256x1xf32>
      %dot_general3A_103 = tpu.matmul %convert_element_type3A_101, %div3A_29, %dot_general3A_102 {dimension_numbers = #tpu.dot_dimension_numbers<[1], [1], [0], [0], [0, 0, 1, 0], [], []>, precision = #tpu.contract_precision<fp32>, transpose_lhs_hint = false} : vector<256x2048xf32>, vector<1x2048xf32>, vector<256x1xf32> -> vector<256x1xf32>
      %gt3A_104 = vector.broadcast %div3A_29 : vector<1x2048xf32> to vector<256x2048xf32>
      %gt3A_105 = vector.broadcast %dot_general3A_103 : vector<256x1xf32> to vector<256x2048xf32>
      %gt3A_106 = arith.cmpf ogt, %gt3A_104, %gt3A_105 : vector<256x2048xf32>
      %convert_element_type3A_107 = arith.extui %gt3A_106 : vector<256x2048xi1> to vector<256x2048xi32>
      %convert_element_type3A_108 = arith.sitofp %convert_element_type3A_107 : vector<256x2048xi32> to vector<256x2048xf32>
      %eq3A_109 = vector.broadcast %div3A_29 : vector<1x2048xf32> to vector<256x2048xf32>
      %eq3A_110 = vector.broadcast %dot_general3A_103 : vector<256x1xf32> to vector<256x2048xf32>
      %eq3A_111 = arith.cmpf oeq, %eq3A_109, %eq3A_110 : vector<256x2048xf32>
      %lt3A_112 = arith.cmpi slt, %iota3A, %add3A_98 : vector<256x2048xi32>
      %and3A_113 = arith.andi %eq3A_111, %lt3A_112 : vector<256x2048xi1>
      %convert_element_type3A_114 = arith.extui %and3A_113 : vector<256x2048xi1> to vector<256x2048xi32>
      %convert_element_type3A_115 = arith.sitofp %convert_element_type3A_114 : vector<256x2048xi32> to vector<256x2048xf32>
      %add3A_116 = arith.addf %convert_element_type3A_108, %convert_element_type3A_115 : vector<256x2048xf32>
      %reduce_sum3A_117 = arith.constant dense<0.000000e+00> : vector<256xf32>
      %reduce_sum3A_118 = vector.multi_reduction <add>, %add3A_116, %reduce_sum3A_117 [1] : vector<256x2048xf32> to vector<256xf32>
      %broadcast_in_dim3A_119 = vector.shape_cast %reduce_sum3A_118 : vector<256xf32> to vector<256x1xf32>
      %lt3A_120 = arith.constant 1.024000e+03 : f32
      %lt3A_121 = vector.broadcast %lt3A_120 : f32 to vector<256x1xf32>
      %lt3A_122 = arith.cmpf olt, %broadcast_in_dim3A_119, %lt3A_121 : vector<256x1xf32>
      %convert_element_type3A_123 = arith.extui %lt3A_122 : vector<256x1xi1> to vector<256x1xi32>
      %convert_element_type3A_124 = arith.sitofp %convert_element_type3A_123 : vector<256x1xi32> to vector<256x1xf32>
      %dot_general3A_125 = arith.constant dense<0.000000e+00> : vector<256x1xf32>
      %dot_general3A_126 = tpu.matmul %convert_element_type3A_38, %convert_element_type3A_124, %dot_general3A_125 {dimension_numbers = #tpu.dot_dimension_numbers<[1], [0], [0], [1], [0, 0, 1, 1], [], []>, transpose_lhs_hint = false} : vector<256x256xf32>, vector<256x1xf32>, vector<256x1xf32> -> vector<256x1xf32>
      %sub3A_127 = arith.constant 1.000000e+00 : f32
      %sub3A_128 = vector.broadcast %sub3A_127 : f32 to vector<256x1xf32>
      %sub3A_129 = arith.subf %dot_general3A_126, %sub3A_128 : vector<256x1xf32>
      %add3A_130 = vector.broadcast %add3A_79 : f32 to vector<256x1xf32>
      %add3A_131 = arith.addf %sub3A_129, %add3A_130 : vector<256x1xf32>
      %reduce_sum3A_132 = vector.shape_cast %convert_element_type3A_124 : vector<256x1xf32> to vector<1x256x1xf32>
      %reduce_sum3A_133 = arith.constant dense<0.000000e+00> : vector<1xf32>
      %reduce_sum3A_134 = vector.multi_reduction <add>, %reduce_sum3A_132, %reduce_sum3A_133 [1, 2] : vector<1x256x1xf32> to vector<1xf32>
      %reduce_sum3A_135 = vector.shape_cast %reduce_sum3A_134 : vector<1xf32> to vector<1x1x1xf32>
      %reduce_sum3A_136 = vector.extract %reduce_sum3A_135[0, 0, 0] : f32 from vector<1x1x1xf32>
      %add3A_137 = arith.addf %add3A_79, %reduce_sum3A_136 : f32
      %eq3A_138 = vector.broadcast %add3A_131 : vector<256x1xf32> to vector<256x1024xf32>
      %eq3A_139 = vector.broadcast %convert_element_type3A_34 : vector<1x1024xf32> to vector<256x1024xf32>
      %eq3A_140 = arith.cmpf oeq, %eq3A_138, %eq3A_139 : vector<256x1024xf32>
      %convert_element_type3A_141 = arith.extui %eq3A_140 : vector<256x1024xi1> to vector<256x1024xi32>
      %convert_element_type3A_142 = arith.sitofp %convert_element_type3A_141 : vector<256x1024xi32> to vector<256x1024xf32>
      %mul3A_143 = vector.broadcast %convert_element_type3A_124 : vector<256x1xf32> to vector<256x1024xf32>
      %mul3A_144 = arith.mulf %convert_element_type3A_142, %mul3A_143 : vector<256x1024xf32>
      %dot_general3A_145 = arith.constant dense<0.000000e+00> : vector<1x1024xf32>
      %dot_general3A_146 = tpu.matmul %convert_element_type3A_32, %mul3A_144, %dot_general3A_145 {dimension_numbers = #tpu.dot_dimension_numbers<[0], [0], [1], [1], [0, 1, 1, 1], [], []>, transpose_lhs_hint = false} : vector<256x1xf32>, vector<256x1024xf32>, vector<1x1024xf32> -> vector<1x1024xf32>
      %add3A_147 = arith.addf %add3A_95, %dot_general3A_146 : vector<1x1024xf32>
      %reduce_sum3A_148 = arith.constant dense<0.000000e+00> : vector<1024xf32>
      %reduce_sum3A_149 = vector.multi_reduction <add>, %mul3A_144, %reduce_sum3A_148 [0] : vector<256x1024xf32> to vector<1024xf32>
      %broadcast_in_dim3A_150 = vector.shape_cast %reduce_sum3A_149 : vector<1024xf32> to vector<1x1024xf32>
      %mul3A_151 = arith.constant 2.560000e+02 : f32
      %mul3A_152 = vector.broadcast %mul3A_151 : f32 to vector<1x1024xf32>
      %mul3A_153 = arith.mulf %mul3A_152, %broadcast_in_dim3A_150 : vector<1x1024xf32>
      %add3A_154 = arith.addf %add3A_147, %mul3A_153 : vector<1x1024xf32>
      %add3A_155 = arith.constant 512 : i32
      %add3A_156 = vector.broadcast %add3A_155 : i32 to vector<256x2048xi32>
      %add3A_157 = arith.addi %iota3A_30, %add3A_156 : vector<256x2048xi32>
      %eq3A_158 = arith.cmpi eq, %iota3A, %add3A_157 : vector<256x2048xi32>
      %convert_element_type3A_159 = arith.extui %eq3A_158 : vector<256x2048xi1> to vector<256x2048xi32>
      %convert_element_type3A_160 = arith.sitofp %convert_element_type3A_159 : vector<256x2048xi32> to vector<256x2048xf32>
      %dot_general3A_161 = arith.constant dense<0.000000e+00> : vector<256x1xf32>
      %dot_general3A_162 = tpu.matmul %convert_element_type3A_160, %div3A_29, %dot_general3A_161 {dimension_numbers = #tpu.dot_dimension_numbers<[1], [1], [0], [0], [0, 0, 1, 0], [], []>, precision = #tpu.contract_precision<fp32>, transpose_lhs_hint = false} : vector<256x2048xf32>, vector<1x2048xf32>, vector<256x1xf32> -> vector<256x1xf32>
      %gt3A_163 = vector.broadcast %div3A_29 : vector<1x2048xf32> to vector<256x2048xf32>
      %gt3A_164 = vector.broadcast %dot_general3A_162 : vector<256x1xf32> to vector<256x2048xf32>
      %gt3A_165 = arith.cmpf ogt, %gt3A_163, %gt3A_164 : vector<256x2048xf32>
      %convert_element_type3A_166 = arith.extui %gt3A_165 : vector<256x2048xi1> to vector<256x2048xi32>
      %convert_element_type3A_167 = arith.sitofp %convert_element_type3A_166 : vector<256x2048xi32> to vector<256x2048xf32>
      %eq3A_168 = vector.broadcast %div3A_29 : vector<1x2048xf32> to vector<256x2048xf32>
      %eq3A_169 = vector.broadcast %dot_general3A_162 : vector<256x1xf32> to vector<256x2048xf32>
      %eq3A_170 = arith.cmpf oeq, %eq3A_168, %eq3A_169 : vector<256x2048xf32>
      %lt3A_171 = arith.cmpi slt, %iota3A, %add3A_157 : vector<256x2048xi32>
      %and3A_172 = arith.andi %eq3A_170, %lt3A_171 : vector<256x2048xi1>
      %convert_element_type3A_173 = arith.extui %and3A_172 : vector<256x2048xi1> to vector<256x2048xi32>
      %convert_element_type3A_174 = arith.sitofp %convert_element_type3A_173 : vector<256x2048xi32> to vector<256x2048xf32>
      %add3A_175 = arith.addf %convert_element_type3A_167, %convert_element_type3A_174 : vector<256x2048xf32>
      %reduce_sum3A_176 = arith.constant dense<0.000000e+00> : vector<256xf32>
      %reduce_sum3A_177 = vector.multi_reduction <add>, %add3A_175, %reduce_sum3A_176 [1] : vector<256x2048xf32> to vector<256xf32>
      %broadcast_in_dim3A_178 = vector.shape_cast %reduce_sum3A_177 : vector<256xf32> to vector<256x1xf32>
      %lt3A_179 = arith.constant 1.024000e+03 : f32
      %lt3A_180 = vector.broadcast %lt3A_179 : f32 to vector<256x1xf32>
      %lt3A_181 = arith.cmpf olt, %broadcast_in_dim3A_178, %lt3A_180 : vector<256x1xf32>
      %convert_element_type3A_182 = arith.extui %lt3A_181 : vector<256x1xi1> to vector<256x1xi32>
      %convert_element_type3A_183 = arith.sitofp %convert_element_type3A_182 : vector<256x1xi32> to vector<256x1xf32>
      %dot_general3A_184 = arith.constant dense<0.000000e+00> : vector<256x1xf32>
      %dot_general3A_185 = tpu.matmul %convert_element_type3A_38, %convert_element_type3A_183, %dot_general3A_184 {dimension_numbers = #tpu.dot_dimension_numbers<[1], [0], [0], [1], [0, 0, 1, 1], [], []>, transpose_lhs_hint = false} : vector<256x256xf32>, vector<256x1xf32>, vector<256x1xf32> -> vector<256x1xf32>
      %sub3A_186 = arith.constant 1.000000e+00 : f32
      %sub3A_187 = vector.broadcast %sub3A_186 : f32 to vector<256x1xf32>
      %sub3A_188 = arith.subf %dot_general3A_185, %sub3A_187 : vector<256x1xf32>
      %add3A_189 = vector.broadcast %add3A_137 : f32 to vector<256x1xf32>
      %add3A_190 = arith.addf %sub3A_188, %add3A_189 : vector<256x1xf32>
      %reduce_sum3A_191 = vector.shape_cast %convert_element_type3A_183 : vector<256x1xf32> to vector<1x256x1xf32>
      %reduce_sum3A_192 = arith.constant dense<0.000000e+00> : vector<1xf32>
      %reduce_sum3A_193 = vector.multi_reduction <add>, %reduce_sum3A_191, %reduce_sum3A_192 [1, 2] : vector<1x256x1xf32> to vector<1xf32>
      %reduce_sum3A_194 = vector.shape_cast %reduce_sum3A_193 : vector<1xf32> to vector<1x1x1xf32>
      %reduce_sum3A_195 = vector.extract %reduce_sum3A_194[0, 0, 0] : f32 from vector<1x1x1xf32>
      %add3A_196 = arith.addf %add3A_137, %reduce_sum3A_195 : f32
      %eq3A_197 = vector.broadcast %add3A_190 : vector<256x1xf32> to vector<256x1024xf32>
      %eq3A_198 = vector.broadcast %convert_element_type3A_34 : vector<1x1024xf32> to vector<256x1024xf32>
      %eq3A_199 = arith.cmpf oeq, %eq3A_197, %eq3A_198 : vector<256x1024xf32>
      %convert_element_type3A_200 = arith.extui %eq3A_199 : vector<256x1024xi1> to vector<256x1024xi32>
      %convert_element_type3A_201 = arith.sitofp %convert_element_type3A_200 : vector<256x1024xi32> to vector<256x1024xf32>
      %mul3A_202 = vector.broadcast %convert_element_type3A_183 : vector<256x1xf32> to vector<256x1024xf32>
      %mul3A_203 = arith.mulf %convert_element_type3A_201, %mul3A_202 : vector<256x1024xf32>
      %dot_general3A_204 = arith.constant dense<0.000000e+00> : vector<1x1024xf32>
      %dot_general3A_205 = tpu.matmul %convert_element_type3A_32, %mul3A_203, %dot_general3A_204 {dimension_numbers = #tpu.dot_dimension_numbers<[0], [0], [1], [1], [0, 1, 1, 1], [], []>, transpose_lhs_hint = false} : vector<256x1xf32>, vector<256x1024xf32>, vector<1x1024xf32> -> vector<1x1024xf32>
      %add3A_206 = arith.addf %add3A_154, %dot_general3A_205 : vector<1x1024xf32>
      %reduce_sum3A_207 = arith.constant dense<0.000000e+00> : vector<1024xf32>
      %reduce_sum3A_208 = vector.multi_reduction <add>, %mul3A_203, %reduce_sum3A_207 [0] : vector<256x1024xf32> to vector<1024xf32>
      %broadcast_in_dim3A_209 = vector.shape_cast %reduce_sum3A_208 : vector<1024xf32> to vector<1x1024xf32>
      %mul3A_210 = arith.constant 5.120000e+02 : f32
      %mul3A_211 = vector.broadcast %mul3A_210 : f32 to vector<1x1024xf32>
      %mul3A_212 = arith.mulf %mul3A_211, %broadcast_in_dim3A_209 : vector<1x1024xf32>
      %add3A_213 = arith.addf %add3A_206, %mul3A_212 : vector<1x1024xf32>
      %add3A_214 = arith.constant 768 : i32
      %add3A_215 = vector.broadcast %add3A_214 : i32 to vector<256x2048xi32>
      %add3A_216 = arith.addi %iota3A_30, %add3A_215 : vector<256x2048xi32>
      %eq3A_217 = arith.cmpi eq, %iota3A, %add3A_216 : vector<256x2048xi32>
      %convert_element_type3A_218 = arith.extui %eq3A_217 : vector<256x2048xi1> to vector<256x2048xi32>
      %convert_element_type3A_219 = arith.sitofp %convert_element_type3A_218 : vector<256x2048xi32> to vector<256x2048xf32>
      %dot_general3A_220 = arith.constant dense<0.000000e+00> : vector<256x1xf32>
      %dot_general3A_221 = tpu.matmul %convert_element_type3A_219, %div3A_29, %dot_general3A_220 {dimension_numbers = #tpu.dot_dimension_numbers<[1], [1], [0], [0], [0, 0, 1, 0], [], []>, precision = #tpu.contract_precision<fp32>, transpose_lhs_hint = false} : vector<256x2048xf32>, vector<1x2048xf32>, vector<256x1xf32> -> vector<256x1xf32>
      %gt3A_222 = vector.broadcast %div3A_29 : vector<1x2048xf32> to vector<256x2048xf32>
      %gt3A_223 = vector.broadcast %dot_general3A_221 : vector<256x1xf32> to vector<256x2048xf32>
      %gt3A_224 = arith.cmpf ogt, %gt3A_222, %gt3A_223 : vector<256x2048xf32>
      %convert_element_type3A_225 = arith.extui %gt3A_224 : vector<256x2048xi1> to vector<256x2048xi32>
      %convert_element_type3A_226 = arith.sitofp %convert_element_type3A_225 : vector<256x2048xi32> to vector<256x2048xf32>
      %eq3A_227 = vector.broadcast %div3A_29 : vector<1x2048xf32> to vector<256x2048xf32>
      %eq3A_228 = vector.broadcast %dot_general3A_221 : vector<256x1xf32> to vector<256x2048xf32>
      %eq3A_229 = arith.cmpf oeq, %eq3A_227, %eq3A_228 : vector<256x2048xf32>
      %lt3A_230 = arith.cmpi slt, %iota3A, %add3A_216 : vector<256x2048xi32>
      %and3A_231 = arith.andi %eq3A_229, %lt3A_230 : vector<256x2048xi1>
      %convert_element_type3A_232 = arith.extui %and3A_231 : vector<256x2048xi1> to vector<256x2048xi32>
      %convert_element_type3A_233 = arith.sitofp %convert_element_type3A_232 : vector<256x2048xi32> to vector<256x2048xf32>
      %add3A_234 = arith.addf %convert_element_type3A_226, %convert_element_type3A_233 : vector<256x2048xf32>
      %reduce_sum3A_235 = arith.constant dense<0.000000e+00> : vector<256xf32>
      %reduce_sum3A_236 = vector.multi_reduction <add>, %add3A_234, %reduce_sum3A_235 [1] : vector<256x2048xf32> to vector<256xf32>
      %broadcast_in_dim3A_237 = vector.shape_cast %reduce_sum3A_236 : vector<256xf32> to vector<256x1xf32>
      %lt3A_238 = arith.constant 1.024000e+03 : f32
      %lt3A_239 = vector.broadcast %lt3A_238 : f32 to vector<256x1xf32>
      %lt3A_240 = arith.cmpf olt, %broadcast_in_dim3A_237, %lt3A_239 : vector<256x1xf32>
      %convert_element_type3A_241 = arith.extui %lt3A_240 : vector<256x1xi1> to vector<256x1xi32>
      %convert_element_type3A_242 = arith.sitofp %convert_element_type3A_241 : vector<256x1xi32> to vector<256x1xf32>
      %dot_general3A_243 = arith.constant dense<0.000000e+00> : vector<256x1xf32>
      %dot_general3A_244 = tpu.matmul %convert_element_type3A_38, %convert_element_type3A_242, %dot_general3A_243 {dimension_numbers = #tpu.dot_dimension_numbers<[1], [0], [0], [1], [0, 0, 1, 1], [], []>, transpose_lhs_hint = false} : vector<256x256xf32>, vector<256x1xf32>, vector<256x1xf32> -> vector<256x1xf32>
      %sub3A_245 = arith.constant 1.000000e+00 : f32
      %sub3A_246 = vector.broadcast %sub3A_245 : f32 to vector<256x1xf32>
      %sub3A_247 = arith.subf %dot_general3A_244, %sub3A_246 : vector<256x1xf32>
      %add3A_248 = vector.broadcast %add3A_196 : f32 to vector<256x1xf32>
      %add3A_249 = arith.addf %sub3A_247, %add3A_248 : vector<256x1xf32>
      %reduce_sum3A_250 = vector.shape_cast %convert_element_type3A_242 : vector<256x1xf32> to vector<1x256x1xf32>
      %reduce_sum3A_251 = arith.constant dense<0.000000e+00> : vector<1xf32>
      %reduce_sum3A_252 = vector.multi_reduction <add>, %reduce_sum3A_250, %reduce_sum3A_251 [1, 2] : vector<1x256x1xf32> to vector<1xf32>
      %reduce_sum3A_253 = vector.shape_cast %reduce_sum3A_252 : vector<1xf32> to vector<1x1x1xf32>
      %reduce_sum3A_254 = vector.extract %reduce_sum3A_253[0, 0, 0] : f32 from vector<1x1x1xf32>
      %add3A_255 = arith.addf %add3A_196, %reduce_sum3A_254 : f32
      %eq3A_256 = vector.broadcast %add3A_249 : vector<256x1xf32> to vector<256x1024xf32>
      %eq3A_257 = vector.broadcast %convert_element_type3A_34 : vector<1x1024xf32> to vector<256x1024xf32>
      %eq3A_258 = arith.cmpf oeq, %eq3A_256, %eq3A_257 : vector<256x1024xf32>
      %convert_element_type3A_259 = arith.extui %eq3A_258 : vector<256x1024xi1> to vector<256x1024xi32>
      %convert_element_type3A_260 = arith.sitofp %convert_element_type3A_259 : vector<256x1024xi32> to vector<256x1024xf32>
      %mul3A_261 = vector.broadcast %convert_element_type3A_242 : vector<256x1xf32> to vector<256x1024xf32>
      %mul3A_262 = arith.mulf %convert_element_type3A_260, %mul3A_261 : vector<256x1024xf32>
      %dot_general3A_263 = arith.constant dense<0.000000e+00> : vector<1x1024xf32>
      %dot_general3A_264 = tpu.matmul %convert_element_type3A_32, %mul3A_262, %dot_general3A_263 {dimension_numbers = #tpu.dot_dimension_numbers<[0], [0], [1], [1], [0, 1, 1, 1], [], []>, transpose_lhs_hint = false} : vector<256x1xf32>, vector<256x1024xf32>, vector<1x1024xf32> -> vector<1x1024xf32>
      %add3A_265 = arith.addf %add3A_213, %dot_general3A_264 : vector<1x1024xf32>
      %reduce_sum3A_266 = arith.constant dense<0.000000e+00> : vector<1024xf32>
      %reduce_sum3A_267 = vector.multi_reduction <add>, %mul3A_262, %reduce_sum3A_266 [0] : vector<256x1024xf32> to vector<1024xf32>
      %broadcast_in_dim3A_268 = vector.shape_cast %reduce_sum3A_267 : vector<1024xf32> to vector<1x1024xf32>
      %mul3A_269 = arith.constant 7.680000e+02 : f32
      %mul3A_270 = vector.broadcast %mul3A_269 : f32 to vector<1x1024xf32>
      %mul3A_271 = arith.mulf %mul3A_270, %broadcast_in_dim3A_268 : vector<1x1024xf32>
      %add3A_272 = arith.addf %add3A_265, %mul3A_271 : vector<1x1024xf32>
      %add3A_273 = arith.constant 1024 : i32
      %add3A_274 = vector.broadcast %add3A_273 : i32 to vector<256x2048xi32>
      %add3A_275 = arith.addi %iota3A_30, %add3A_274 : vector<256x2048xi32>
      %eq3A_276 = arith.cmpi eq, %iota3A, %add3A_275 : vector<256x2048xi32>
      %convert_element_type3A_277 = arith.extui %eq3A_276 : vector<256x2048xi1> to vector<256x2048xi32>
      %convert_element_type3A_278 = arith.sitofp %convert_element_type3A_277 : vector<256x2048xi32> to vector<256x2048xf32>
      %dot_general3A_279 = arith.constant dense<0.000000e+00> : vector<256x1xf32>
      %dot_general3A_280 = tpu.matmul %convert_element_type3A_278, %div3A_29, %dot_general3A_279 {dimension_numbers = #tpu.dot_dimension_numbers<[1], [1], [0], [0], [0, 0, 1, 0], [], []>, precision = #tpu.contract_precision<fp32>, transpose_lhs_hint = false} : vector<256x2048xf32>, vector<1x2048xf32>, vector<256x1xf32> -> vector<256x1xf32>
      %gt3A_281 = vector.broadcast %div3A_29 : vector<1x2048xf32> to vector<256x2048xf32>
      %gt3A_282 = vector.broadcast %dot_general3A_280 : vector<256x1xf32> to vector<256x2048xf32>
      %gt3A_283 = arith.cmpf ogt, %gt3A_281, %gt3A_282 : vector<256x2048xf32>
      %convert_element_type3A_284 = arith.extui %gt3A_283 : vector<256x2048xi1> to vector<256x2048xi32>
      %convert_element_type3A_285 = arith.sitofp %convert_element_type3A_284 : vector<256x2048xi32> to vector<256x2048xf32>
      %eq3A_286 = vector.broadcast %div3A_29 : vector<1x2048xf32> to vector<256x2048xf32>
      %eq3A_287 = vector.broadcast %dot_general3A_280 : vector<256x1xf32> to vector<256x2048xf32>
      %eq3A_288 = arith.cmpf oeq, %eq3A_286, %eq3A_287 : vector<256x2048xf32>
      %lt3A_289 = arith.cmpi slt, %iota3A, %add3A_275 : vector<256x2048xi32>
      %and3A_290 = arith.andi %eq3A_288, %lt3A_289 : vector<256x2048xi1>
      %convert_element_type3A_291 = arith.extui %and3A_290 : vector<256x2048xi1> to vector<256x2048xi32>
      %convert_element_type3A_292 = arith.sitofp %convert_element_type3A_291 : vector<256x2048xi32> to vector<256x2048xf32>
      %add3A_293 = arith.addf %convert_element_type3A_285, %convert_element_type3A_292 : vector<256x2048xf32>
      %reduce_sum3A_294 = arith.constant dense<0.000000e+00> : vector<256xf32>
      %reduce_sum3A_295 = vector.multi_reduction <add>, %add3A_293, %reduce_sum3A_294 [1] : vector<256x2048xf32> to vector<256xf32>
      %broadcast_in_dim3A_296 = vector.shape_cast %reduce_sum3A_295 : vector<256xf32> to vector<256x1xf32>
      %lt3A_297 = arith.constant 1.024000e+03 : f32
      %lt3A_298 = vector.broadcast %lt3A_297 : f32 to vector<256x1xf32>
      %lt3A_299 = arith.cmpf olt, %broadcast_in_dim3A_296, %lt3A_298 : vector<256x1xf32>
      %convert_element_type3A_300 = arith.extui %lt3A_299 : vector<256x1xi1> to vector<256x1xi32>
      %convert_element_type3A_301 = arith.sitofp %convert_element_type3A_300 : vector<256x1xi32> to vector<256x1xf32>
      %dot_general3A_302 = arith.constant dense<0.000000e+00> : vector<256x1xf32>
      %dot_general3A_303 = tpu.matmul %convert_element_type3A_38, %convert_element_type3A_301, %dot_general3A_302 {dimension_numbers = #tpu.dot_dimension_numbers<[1], [0], [0], [1], [0, 0, 1, 1], [], []>, transpose_lhs_hint = false} : vector<256x256xf32>, vector<256x1xf32>, vector<256x1xf32> -> vector<256x1xf32>
      %sub3A_304 = arith.constant 1.000000e+00 : f32
      %sub3A_305 = vector.broadcast %sub3A_304 : f32 to vector<256x1xf32>
      %sub3A_306 = arith.subf %dot_general3A_303, %sub3A_305 : vector<256x1xf32>
      %add3A_307 = vector.broadcast %add3A_255 : f32 to vector<256x1xf32>
      %add3A_308 = arith.addf %sub3A_306, %add3A_307 : vector<256x1xf32>
      %reduce_sum3A_309 = vector.shape_cast %convert_element_type3A_301 : vector<256x1xf32> to vector<1x256x1xf32>
      %reduce_sum3A_310 = arith.constant dense<0.000000e+00> : vector<1xf32>
      %reduce_sum3A_311 = vector.multi_reduction <add>, %reduce_sum3A_309, %reduce_sum3A_310 [1, 2] : vector<1x256x1xf32> to vector<1xf32>
      %reduce_sum3A_312 = vector.shape_cast %reduce_sum3A_311 : vector<1xf32> to vector<1x1x1xf32>
      %reduce_sum3A_313 = vector.extract %reduce_sum3A_312[0, 0, 0] : f32 from vector<1x1x1xf32>
      %add3A_314 = arith.addf %add3A_255, %reduce_sum3A_313 : f32
      %eq3A_315 = vector.broadcast %add3A_308 : vector<256x1xf32> to vector<256x1024xf32>
      %eq3A_316 = vector.broadcast %convert_element_type3A_34 : vector<1x1024xf32> to vector<256x1024xf32>
      %eq3A_317 = arith.cmpf oeq, %eq3A_315, %eq3A_316 : vector<256x1024xf32>
      %convert_element_type3A_318 = arith.extui %eq3A_317 : vector<256x1024xi1> to vector<256x1024xi32>
      %convert_element_type3A_319 = arith.sitofp %convert_element_type3A_318 : vector<256x1024xi32> to vector<256x1024xf32>
      %mul3A_320 = vector.broadcast %convert_element_type3A_301 : vector<256x1xf32> to vector<256x1024xf32>
      %mul3A_321 = arith.mulf %convert_element_type3A_319, %mul3A_320 : vector<256x1024xf32>
      %dot_general3A_322 = arith.constant dense<0.000000e+00> : vector<1x1024xf32>
      %dot_general3A_323 = tpu.matmul %convert_element_type3A_32, %mul3A_321, %dot_general3A_322 {dimension_numbers = #tpu.dot_dimension_numbers<[0], [0], [1], [1], [0, 1, 1, 1], [], []>, transpose_lhs_hint = false} : vector<256x1xf32>, vector<256x1024xf32>, vector<1x1024xf32> -> vector<1x1024xf32>
      %add3A_324 = arith.addf %add3A_272, %dot_general3A_323 : vector<1x1024xf32>
      %reduce_sum3A_325 = arith.constant dense<0.000000e+00> : vector<1024xf32>
      %reduce_sum3A_326 = vector.multi_reduction <add>, %mul3A_321, %reduce_sum3A_325 [0] : vector<256x1024xf32> to vector<1024xf32>
      %broadcast_in_dim3A_327 = vector.shape_cast %reduce_sum3A_326 : vector<1024xf32> to vector<1x1024xf32>
      %mul3A_328 = arith.constant 1.024000e+03 : f32
      %mul3A_329 = vector.broadcast %mul3A_328 : f32 to vector<1x1024xf32>
      %mul3A_330 = arith.mulf %mul3A_329, %broadcast_in_dim3A_327 : vector<1x1024xf32>
      %add3A_331 = arith.addf %add3A_324, %mul3A_330 : vector<1x1024xf32>
      %add3A_332 = arith.constant 1280 : i32
      %add3A_333 = vector.broadcast %add3A_332 : i32 to vector<256x2048xi32>
      %add3A_334 = arith.addi %iota3A_30, %add3A_333 : vector<256x2048xi32>
      %eq3A_335 = arith.cmpi eq, %iota3A, %add3A_334 : vector<256x2048xi32>
      %convert_element_type3A_336 = arith.extui %eq3A_335 : vector<256x2048xi1> to vector<256x2048xi32>
      %convert_element_type3A_337 = arith.sitofp %convert_element_type3A_336 : vector<256x2048xi32> to vector<256x2048xf32>
      %dot_general3A_338 = arith.constant dense<0.000000e+00> : vector<256x1xf32>
      %dot_general3A_339 = tpu.matmul %convert_element_type3A_337, %div3A_29, %dot_general3A_338 {dimension_numbers = #tpu.dot_dimension_numbers<[1], [1], [0], [0], [0, 0, 1, 0], [], []>, precision = #tpu.contract_precision<fp32>, transpose_lhs_hint = false} : vector<256x2048xf32>, vector<1x2048xf32>, vector<256x1xf32> -> vector<256x1xf32>
      %gt3A_340 = vector.broadcast %div3A_29 : vector<1x2048xf32> to vector<256x2048xf32>
      %gt3A_341 = vector.broadcast %dot_general3A_339 : vector<256x1xf32> to vector<256x2048xf32>
      %gt3A_342 = arith.cmpf ogt, %gt3A_340, %gt3A_341 : vector<256x2048xf32>
      %convert_element_type3A_343 = arith.extui %gt3A_342 : vector<256x2048xi1> to vector<256x2048xi32>
      %convert_element_type3A_344 = arith.sitofp %convert_element_type3A_343 : vector<256x2048xi32> to vector<256x2048xf32>
      %eq3A_345 = vector.broadcast %div3A_29 : vector<1x2048xf32> to vector<256x2048xf32>
      %eq3A_346 = vector.broadcast %dot_general3A_339 : vector<256x1xf32> to vector<256x2048xf32>
      %eq3A_347 = arith.cmpf oeq, %eq3A_345, %eq3A_346 : vector<256x2048xf32>
      %lt3A_348 = arith.cmpi slt, %iota3A, %add3A_334 : vector<256x2048xi32>
      %and3A_349 = arith.andi %eq3A_347, %lt3A_348 : vector<256x2048xi1>
      %convert_element_type3A_350 = arith.extui %and3A_349 : vector<256x2048xi1> to vector<256x2048xi32>
      %convert_element_type3A_351 = arith.sitofp %convert_element_type3A_350 : vector<256x2048xi32> to vector<256x2048xf32>
      %add3A_352 = arith.addf %convert_element_type3A_344, %convert_element_type3A_351 : vector<256x2048xf32>
      %reduce_sum3A_353 = arith.constant dense<0.000000e+00> : vector<256xf32>
      %reduce_sum3A_354 = vector.multi_reduction <add>, %add3A_352, %reduce_sum3A_353 [1] : vector<256x2048xf32> to vector<256xf32>
      %broadcast_in_dim3A_355 = vector.shape_cast %reduce_sum3A_354 : vector<256xf32> to vector<256x1xf32>
      %lt3A_356 = arith.constant 1.024000e+03 : f32
      %lt3A_357 = vector.broadcast %lt3A_356 : f32 to vector<256x1xf32>
      %lt3A_358 = arith.cmpf olt, %broadcast_in_dim3A_355, %lt3A_357 : vector<256x1xf32>
      %convert_element_type3A_359 = arith.extui %lt3A_358 : vector<256x1xi1> to vector<256x1xi32>
      %convert_element_type3A_360 = arith.sitofp %convert_element_type3A_359 : vector<256x1xi32> to vector<256x1xf32>
      %dot_general3A_361 = arith.constant dense<0.000000e+00> : vector<256x1xf32>
      %dot_general3A_362 = tpu.matmul %convert_element_type3A_38, %convert_element_type3A_360, %dot_general3A_361 {dimension_numbers = #tpu.dot_dimension_numbers<[1], [0], [0], [1], [0, 0, 1, 1], [], []>, transpose_lhs_hint = false} : vector<256x256xf32>, vector<256x1xf32>, vector<256x1xf32> -> vector<256x1xf32>
      %sub3A_363 = arith.constant 1.000000e+00 : f32
      %sub3A_364 = vector.broadcast %sub3A_363 : f32 to vector<256x1xf32>
      %sub3A_365 = arith.subf %dot_general3A_362, %sub3A_364 : vector<256x1xf32>
      %add3A_366 = vector.broadcast %add3A_314 : f32 to vector<256x1xf32>
      %add3A_367 = arith.addf %sub3A_365, %add3A_366 : vector<256x1xf32>
      %reduce_sum3A_368 = vector.shape_cast %convert_element_type3A_360 : vector<256x1xf32> to vector<1x256x1xf32>
      %reduce_sum3A_369 = arith.constant dense<0.000000e+00> : vector<1xf32>
      %reduce_sum3A_370 = vector.multi_reduction <add>, %reduce_sum3A_368, %reduce_sum3A_369 [1, 2] : vector<1x256x1xf32> to vector<1xf32>
      %reduce_sum3A_371 = vector.shape_cast %reduce_sum3A_370 : vector<1xf32> to vector<1x1x1xf32>
      %reduce_sum3A_372 = vector.extract %reduce_sum3A_371[0, 0, 0] : f32 from vector<1x1x1xf32>
      %add3A_373 = arith.addf %add3A_314, %reduce_sum3A_372 : f32
      %eq3A_374 = vector.broadcast %add3A_367 : vector<256x1xf32> to vector<256x1024xf32>
      %eq3A_375 = vector.broadcast %convert_element_type3A_34 : vector<1x1024xf32> to vector<256x1024xf32>
      %eq3A_376 = arith.cmpf oeq, %eq3A_374, %eq3A_375 : vector<256x1024xf32>
      %convert_element_type3A_377 = arith.extui %eq3A_376 : vector<256x1024xi1> to vector<256x1024xi32>
      %convert_element_type3A_378 = arith.sitofp %convert_element_type3A_377 : vector<256x1024xi32> to vector<256x1024xf32>
      %mul3A_379 = vector.broadcast %convert_element_type3A_360 : vector<256x1xf32> to vector<256x1024xf32>
      %mul3A_380 = arith.mulf %convert_element_type3A_378, %mul3A_379 : vector<256x1024xf32>
      %dot_general3A_381 = arith.constant dense<0.000000e+00> : vector<1x1024xf32>
      %dot_general3A_382 = tpu.matmul %convert_element_type3A_32, %mul3A_380, %dot_general3A_381 {dimension_numbers = #tpu.dot_dimension_numbers<[0], [0], [1], [1], [0, 1, 1, 1], [], []>, transpose_lhs_hint = false} : vector<256x1xf32>, vector<256x1024xf32>, vector<1x1024xf32> -> vector<1x1024xf32>
      %add3A_383 = arith.addf %add3A_331, %dot_general3A_382 : vector<1x1024xf32>
      %reduce_sum3A_384 = arith.constant dense<0.000000e+00> : vector<1024xf32>
      %reduce_sum3A_385 = vector.multi_reduction <add>, %mul3A_380, %reduce_sum3A_384 [0] : vector<256x1024xf32> to vector<1024xf32>
      %broadcast_in_dim3A_386 = vector.shape_cast %reduce_sum3A_385 : vector<1024xf32> to vector<1x1024xf32>
      %mul3A_387 = arith.constant 1.280000e+03 : f32
      %mul3A_388 = vector.broadcast %mul3A_387 : f32 to vector<1x1024xf32>
      %mul3A_389 = arith.mulf %mul3A_388, %broadcast_in_dim3A_386 : vector<1x1024xf32>
      %add3A_390 = arith.addf %add3A_383, %mul3A_389 : vector<1x1024xf32>
      %add3A_391 = arith.constant 1536 : i32
      %add3A_392 = vector.broadcast %add3A_391 : i32 to vector<256x2048xi32>
      %add3A_393 = arith.addi %iota3A_30, %add3A_392 : vector<256x2048xi32>
      %eq3A_394 = arith.cmpi eq, %iota3A, %add3A_393 : vector<256x2048xi32>
      %convert_element_type3A_395 = arith.extui %eq3A_394 : vector<256x2048xi1> to vector<256x2048xi32>
      %convert_element_type3A_396 = arith.sitofp %convert_element_type3A_395 : vector<256x2048xi32> to vector<256x2048xf32>
      %dot_general3A_397 = arith.constant dense<0.000000e+00> : vector<256x1xf32>
      %dot_general3A_398 = tpu.matmul %convert_element_type3A_396, %div3A_29, %dot_general3A_397 {dimension_numbers = #tpu.dot_dimension_numbers<[1], [1], [0], [0], [0, 0, 1, 0], [], []>, precision = #tpu.contract_precision<fp32>, transpose_lhs_hint = false} : vector<256x2048xf32>, vector<1x2048xf32>, vector<256x1xf32> -> vector<256x1xf32>
      %gt3A_399 = vector.broadcast %div3A_29 : vector<1x2048xf32> to vector<256x2048xf32>
      %gt3A_400 = vector.broadcast %dot_general3A_398 : vector<256x1xf32> to vector<256x2048xf32>
      %gt3A_401 = arith.cmpf ogt, %gt3A_399, %gt3A_400 : vector<256x2048xf32>
      %convert_element_type3A_402 = arith.extui %gt3A_401 : vector<256x2048xi1> to vector<256x2048xi32>
      %convert_element_type3A_403 = arith.sitofp %convert_element_type3A_402 : vector<256x2048xi32> to vector<256x2048xf32>
      %eq3A_404 = vector.broadcast %div3A_29 : vector<1x2048xf32> to vector<256x2048xf32>
      %eq3A_405 = vector.broadcast %dot_general3A_398 : vector<256x1xf32> to vector<256x2048xf32>
      %eq3A_406 = arith.cmpf oeq, %eq3A_404, %eq3A_405 : vector<256x2048xf32>
      %lt3A_407 = arith.cmpi slt, %iota3A, %add3A_393 : vector<256x2048xi32>
      %and3A_408 = arith.andi %eq3A_406, %lt3A_407 : vector<256x2048xi1>
      %convert_element_type3A_409 = arith.extui %and3A_408 : vector<256x2048xi1> to vector<256x2048xi32>
      %convert_element_type3A_410 = arith.sitofp %convert_element_type3A_409 : vector<256x2048xi32> to vector<256x2048xf32>
      %add3A_411 = arith.addf %convert_element_type3A_403, %convert_element_type3A_410 : vector<256x2048xf32>
      %reduce_sum3A_412 = arith.constant dense<0.000000e+00> : vector<256xf32>
      %reduce_sum3A_413 = vector.multi_reduction <add>, %add3A_411, %reduce_sum3A_412 [1] : vector<256x2048xf32> to vector<256xf32>
      %broadcast_in_dim3A_414 = vector.shape_cast %reduce_sum3A_413 : vector<256xf32> to vector<256x1xf32>
      %lt3A_415 = arith.constant 1.024000e+03 : f32
      %lt3A_416 = vector.broadcast %lt3A_415 : f32 to vector<256x1xf32>
      %lt3A_417 = arith.cmpf olt, %broadcast_in_dim3A_414, %lt3A_416 : vector<256x1xf32>
      %convert_element_type3A_418 = arith.extui %lt3A_417 : vector<256x1xi1> to vector<256x1xi32>
      %convert_element_type3A_419 = arith.sitofp %convert_element_type3A_418 : vector<256x1xi32> to vector<256x1xf32>
      %dot_general3A_420 = arith.constant dense<0.000000e+00> : vector<256x1xf32>
      %dot_general3A_421 = tpu.matmul %convert_element_type3A_38, %convert_element_type3A_419, %dot_general3A_420 {dimension_numbers = #tpu.dot_dimension_numbers<[1], [0], [0], [1], [0, 0, 1, 1], [], []>, transpose_lhs_hint = false} : vector<256x256xf32>, vector<256x1xf32>, vector<256x1xf32> -> vector<256x1xf32>
      %sub3A_422 = arith.constant 1.000000e+00 : f32
      %sub3A_423 = vector.broadcast %sub3A_422 : f32 to vector<256x1xf32>
      %sub3A_424 = arith.subf %dot_general3A_421, %sub3A_423 : vector<256x1xf32>
      %add3A_425 = vector.broadcast %add3A_373 : f32 to vector<256x1xf32>
      %add3A_426 = arith.addf %sub3A_424, %add3A_425 : vector<256x1xf32>
      %reduce_sum3A_427 = vector.shape_cast %convert_element_type3A_419 : vector<256x1xf32> to vector<1x256x1xf32>
      %reduce_sum3A_428 = arith.constant dense<0.000000e+00> : vector<1xf32>
      %reduce_sum3A_429 = vector.multi_reduction <add>, %reduce_sum3A_427, %reduce_sum3A_428 [1, 2] : vector<1x256x1xf32> to vector<1xf32>
      %reduce_sum3A_430 = vector.shape_cast %reduce_sum3A_429 : vector<1xf32> to vector<1x1x1xf32>
      %reduce_sum3A_431 = vector.extract %reduce_sum3A_430[0, 0, 0] : f32 from vector<1x1x1xf32>
      %add3A_432 = arith.addf %add3A_373, %reduce_sum3A_431 : f32
      %eq3A_433 = vector.broadcast %add3A_426 : vector<256x1xf32> to vector<256x1024xf32>
      %eq3A_434 = vector.broadcast %convert_element_type3A_34 : vector<1x1024xf32> to vector<256x1024xf32>
      %eq3A_435 = arith.cmpf oeq, %eq3A_433, %eq3A_434 : vector<256x1024xf32>
      %convert_element_type3A_436 = arith.extui %eq3A_435 : vector<256x1024xi1> to vector<256x1024xi32>
      %convert_element_type3A_437 = arith.sitofp %convert_element_type3A_436 : vector<256x1024xi32> to vector<256x1024xf32>
      %mul3A_438 = vector.broadcast %convert_element_type3A_419 : vector<256x1xf32> to vector<256x1024xf32>
      %mul3A_439 = arith.mulf %convert_element_type3A_437, %mul3A_438 : vector<256x1024xf32>
      %dot_general3A_440 = arith.constant dense<0.000000e+00> : vector<1x1024xf32>
      %dot_general3A_441 = tpu.matmul %convert_element_type3A_32, %mul3A_439, %dot_general3A_440 {dimension_numbers = #tpu.dot_dimension_numbers<[0], [0], [1], [1], [0, 1, 1, 1], [], []>, transpose_lhs_hint = false} : vector<256x1xf32>, vector<256x1024xf32>, vector<1x1024xf32> -> vector<1x1024xf32>
      %add3A_442 = arith.addf %add3A_390, %dot_general3A_441 : vector<1x1024xf32>
      %reduce_sum3A_443 = arith.constant dense<0.000000e+00> : vector<1024xf32>
      %reduce_sum3A_444 = vector.multi_reduction <add>, %mul3A_439, %reduce_sum3A_443 [0] : vector<256x1024xf32> to vector<1024xf32>
      %broadcast_in_dim3A_445 = vector.shape_cast %reduce_sum3A_444 : vector<1024xf32> to vector<1x1024xf32>
      %mul3A_446 = arith.constant 1.536000e+03 : f32
      %mul3A_447 = vector.broadcast %mul3A_446 : f32 to vector<1x1024xf32>
      %mul3A_448 = arith.mulf %mul3A_447, %broadcast_in_dim3A_445 : vector<1x1024xf32>
      %add3A_449 = arith.addf %add3A_442, %mul3A_448 : vector<1x1024xf32>
      %add3A_450 = arith.constant 1792 : i32
      %add3A_451 = vector.broadcast %add3A_450 : i32 to vector<256x2048xi32>
      %add3A_452 = arith.addi %iota3A_30, %add3A_451 : vector<256x2048xi32>
      %eq3A_453 = arith.cmpi eq, %iota3A, %add3A_452 : vector<256x2048xi32>
      %convert_element_type3A_454 = arith.extui %eq3A_453 : vector<256x2048xi1> to vector<256x2048xi32>
      %convert_element_type3A_455 = arith.sitofp %convert_element_type3A_454 : vector<256x2048xi32> to vector<256x2048xf32>
      %dot_general3A_456 = arith.constant dense<0.000000e+00> : vector<256x1xf32>
      %dot_general3A_457 = tpu.matmul %convert_element_type3A_455, %div3A_29, %dot_general3A_456 {dimension_numbers = #tpu.dot_dimension_numbers<[1], [1], [0], [0], [0, 0, 1, 0], [], []>, precision = #tpu.contract_precision<fp32>, transpose_lhs_hint = false} : vector<256x2048xf32>, vector<1x2048xf32>, vector<256x1xf32> -> vector<256x1xf32>
      %gt3A_458 = vector.broadcast %div3A_29 : vector<1x2048xf32> to vector<256x2048xf32>
      %gt3A_459 = vector.broadcast %dot_general3A_457 : vector<256x1xf32> to vector<256x2048xf32>
      %gt3A_460 = arith.cmpf ogt, %gt3A_458, %gt3A_459 : vector<256x2048xf32>
      %convert_element_type3A_461 = arith.extui %gt3A_460 : vector<256x2048xi1> to vector<256x2048xi32>
      %convert_element_type3A_462 = arith.sitofp %convert_element_type3A_461 : vector<256x2048xi32> to vector<256x2048xf32>
      %eq3A_463 = vector.broadcast %div3A_29 : vector<1x2048xf32> to vector<256x2048xf32>
      %eq3A_464 = vector.broadcast %dot_general3A_457 : vector<256x1xf32> to vector<256x2048xf32>
      %eq3A_465 = arith.cmpf oeq, %eq3A_463, %eq3A_464 : vector<256x2048xf32>
      %lt3A_466 = arith.cmpi slt, %iota3A, %add3A_452 : vector<256x2048xi32>
      %and3A_467 = arith.andi %eq3A_465, %lt3A_466 : vector<256x2048xi1>
      %convert_element_type3A_468 = arith.extui %and3A_467 : vector<256x2048xi1> to vector<256x2048xi32>
      %convert_element_type3A_469 = arith.sitofp %convert_element_type3A_468 : vector<256x2048xi32> to vector<256x2048xf32>
      %add3A_470 = arith.addf %convert_element_type3A_462, %convert_element_type3A_469 : vector<256x2048xf32>
      %reduce_sum3A_471 = arith.constant dense<0.000000e+00> : vector<256xf32>
      %reduce_sum3A_472 = vector.multi_reduction <add>, %add3A_470, %reduce_sum3A_471 [1] : vector<256x2048xf32> to vector<256xf32>
      %broadcast_in_dim3A_473 = vector.shape_cast %reduce_sum3A_472 : vector<256xf32> to vector<256x1xf32>
      %lt3A_474 = arith.constant 1.024000e+03 : f32
      %lt3A_475 = vector.broadcast %lt3A_474 : f32 to vector<256x1xf32>
      %lt3A_476 = arith.cmpf olt, %broadcast_in_dim3A_473, %lt3A_475 : vector<256x1xf32>
      %convert_element_type3A_477 = arith.extui %lt3A_476 : vector<256x1xi1> to vector<256x1xi32>
      %convert_element_type3A_478 = arith.sitofp %convert_element_type3A_477 : vector<256x1xi32> to vector<256x1xf32>
      %dot_general3A_479 = arith.constant dense<0.000000e+00> : vector<256x1xf32>
      %dot_general3A_480 = tpu.matmul %convert_element_type3A_38, %convert_element_type3A_478, %dot_general3A_479 {dimension_numbers = #tpu.dot_dimension_numbers<[1], [0], [0], [1], [0, 0, 1, 1], [], []>, transpose_lhs_hint = false} : vector<256x256xf32>, vector<256x1xf32>, vector<256x1xf32> -> vector<256x1xf32>
      %sub3A_481 = arith.constant 1.000000e+00 : f32
      %sub3A_482 = vector.broadcast %sub3A_481 : f32 to vector<256x1xf32>
      %sub3A_483 = arith.subf %dot_general3A_480, %sub3A_482 : vector<256x1xf32>
      %add3A_484 = vector.broadcast %add3A_432 : f32 to vector<256x1xf32>
      %add3A_485 = arith.addf %sub3A_483, %add3A_484 : vector<256x1xf32>
      %eq3A_486 = vector.broadcast %add3A_485 : vector<256x1xf32> to vector<256x1024xf32>
      %eq3A_487 = vector.broadcast %convert_element_type3A_34 : vector<1x1024xf32> to vector<256x1024xf32>
      %eq3A_488 = arith.cmpf oeq, %eq3A_486, %eq3A_487 : vector<256x1024xf32>
      %convert_element_type3A_489 = arith.extui %eq3A_488 : vector<256x1024xi1> to vector<256x1024xi32>
      %convert_element_type3A_490 = arith.sitofp %convert_element_type3A_489 : vector<256x1024xi32> to vector<256x1024xf32>
      %mul3A_491 = vector.broadcast %convert_element_type3A_478 : vector<256x1xf32> to vector<256x1024xf32>
      %mul3A_492 = arith.mulf %convert_element_type3A_490, %mul3A_491 : vector<256x1024xf32>
      %dot_general3A_493 = arith.constant dense<0.000000e+00> : vector<1x1024xf32>
      %dot_general3A_494 = tpu.matmul %convert_element_type3A_32, %mul3A_492, %dot_general3A_493 {dimension_numbers = #tpu.dot_dimension_numbers<[0], [0], [1], [1], [0, 1, 1, 1], [], []>, transpose_lhs_hint = false} : vector<256x1xf32>, vector<256x1024xf32>, vector<1x1024xf32> -> vector<1x1024xf32>
      %add3A_495 = arith.addf %add3A_449, %dot_general3A_494 : vector<1x1024xf32>
      %reduce_sum3A_496 = arith.constant dense<0.000000e+00> : vector<1024xf32>
      %reduce_sum3A_497 = vector.multi_reduction <add>, %mul3A_492, %reduce_sum3A_496 [0] : vector<256x1024xf32> to vector<1024xf32>
      %broadcast_in_dim3A_498 = vector.shape_cast %reduce_sum3A_497 : vector<1024xf32> to vector<1x1024xf32>
      %mul3A_499 = arith.constant 1.792000e+03 : f32
      %mul3A_500 = vector.broadcast %mul3A_499 : f32 to vector<1x1024xf32>
      %mul3A_501 = arith.mulf %mul3A_500, %broadcast_in_dim3A_498 : vector<1x1024xf32>
      %add3A_502 = arith.addf %add3A_495, %mul3A_501 : vector<1x1024xf32>
      %convert_element_type3A_503 = arith.fptosi %add3A_502 : vector<1x1024xf32> to vector<1x1024xi32>
      %swap3A_504 = arith.constant 0 : index
      %swap3A_505 = arith.constant 0 : index
      %swap3A_506 = vector.load %arg3[%swap3A_504, %swap3A_505] : memref<1x1024xi32, #tpu.memory_space<vmem>>, vector<1x1024xi32>
      tpu.vector_store %arg3[%swap3A_504, %swap3A_505], %convert_element_type3A_503 {strides = array<i32>} : memref<1x1024xi32, #tpu.memory_space<vmem>>, vector<1x1024xi32>,
    } else {
    }
    return
  }
  func.func @transform_0(%arg0: i32) -> (i32, i32, i32) {
    %c0_i32 = arith.constant 0 : i32
    %c0_i32_0 = arith.constant 0 : i32
    %c0_i32_1 = arith.constant 0 : i32
    return %c0_i32, %arg0, %c0_i32_0 : i32, i32, i32
  }
  func.func @transform_1(%arg0: i32) -> (i32, i32, i32) {
    %c1_i32 = arith.constant 1 : i32
    %c0_i32 = arith.constant 0 : i32
    %c0_i32_0 = arith.constant 0 : i32
    return %c1_i32, %arg0, %c0_i32 : i32, i32, i32
  }
  func.func @transform_2(%arg0: i32) -> (i32, i32) {
    %c0_i32 = arith.constant 0 : i32
    %c0_i32_0 = arith.constant 0 : i32
    %c0_i32_1 = arith.constant 0 : i32
    return %c0_i32, %c0_i32_0 : i32, i32
  }
}

</mosaic_0001>

<sc_bundles>
// kernel: kernel.4.cloned.1.call-start
scs
__scs_entry_jumppad:
0x0: {  	(pc) =	sbr.rel $0x88, $3  }
0x1: {  	(tag) =	ssettag $0x0;
	lr =	simm.s32 $0x1  }
0x2: {  	[smem:$0x3F9F] =	sst lr;
	_ =	strace $0xD0000000  }
0x3: {  	_ = 	snop  }
0x4: {  	_ = 	snop  }
0x5: {  	_ = 	snop  }
0x6: {  	_ = 	snop  }
0x7: {  	_ = 	snop  }
__scs_overlays_trampoline_lowered:
0x8: {  	[smem:$0x3FAE] =	sst s0  }
0x9: {  	[smem:$0x3FAF] =	sst s1  }
0xa: {  	[smem:$0x3FB0] =	sst s2  }
0xb: {  	[smem:$0x3FB1] =	sst s3  }
0xc: {  	[smem:$0x3FB2] =	sst s4  }
0xd: {  	[smem:$0x3FB3] =	sst s5  }
0xe: {  	[smem:$0x3FB4] =	sst s6  }
0xf: {  	[smem:$0x3FB5] =	sst s7  }
0x10: {  	[smem:$0x3FB6] =	sst s8  }
0x11: {  	[smem:$0x3FB7] =	sst s9;
	s0 =	simm.s32 @!p0 $0x0  }
0x12: {  	s1 =	sld [smem:$0x3F9D];
	s0 =	simm.s32 @p0 $0x1  }
0x13: {  	[smem:$0x3FB8] =	sst s0;
	s0 =	simm.s32 @!p1 $0x0  }
0x14: {  	s2 =	sld [smem:$0x3F9C];
	s0 =	simm.s32 @p1 $0x1  }
0x15: {  	[smem:$0x3FB9] =	sst s0;
	s0 =	simm.s32 @!p2 $0x0  }
0x16: {  	s3 =	sld [smem:$0x3FDB];
	s0 =	simm.s32 @p2 $0x1  }
0x17: {  	s4 =	simm.s32 $0x1BF5;
	[smem:$0x3FBB] =	sst s0  }
0x18: {  	s0 =	sld [smem:$0x3F9E];
	_ =	swait.ge [sflag:s4], $0x0  }
0x19: {  	s7 =	sld [smem:$0x3F9F]  }
0x1a: {  	s8 =	sadd.s32 $0xFFFFE003, lr  }
0x1b: {  	s9 =	sadd.s32 $0xFFFFFEF7, lr;
	s5 =	simm.s32 $0xFFFFFFFF;
	p2 =	slt.u32 s8, $0xFFFFF086  }
0x1c: {  	p1 =	slt.u32 s9, $0xF7A;
	s5 =	simm.s32 @!p2 $0x0  }
0x1d: {  	s5 =	simm.s32 @p1 $0x1;
	p0 =	seq.s32 s7, s2  }
0x1e: {  	s7 =	smul.u32 @!p0 $0xF7A, s2;
	p2 =	seq.s32 @!p0 s5, $0x0  }
0x1f: {  	s9 =	smul.u32 $0xF7A, s1;
	s8 =	simm.s32 @!p0 $0x1BF5;
	p2 =	por !p2, p0  }
0x20: {  	[sflag:s8] =	ssyncset.s32 @!p0 $0xFFFFF086;
	s6 =	sadd.s32 @!p0 s3, s7;
	s7 =	simm.s32 @!p0 $0x108  }
0x21: {  	s3 =	sadd.s32 s3, s9;
	s6 =	sadd.s32 @!p0 $0x88, s6;
	s7 =	simm.s32 @p2 $0x1082  }
0x22: {  	[simem:s7], [sflag:s8] =	dma.local @!p0 [hbm:s6], $0xF7A  }
0x23: {  	s9 =	sor.u32 $0xD0000000, s2;
	s6 =	simm.s32 $0x108;
	_ =	swait.ge @!p0 [sflag:s8], $0x0  }
0x24: {  	s3 =	sadd.s32 $0x88, s3;
	s6 =	simm.s32 @!p1 $0x1082;
	[sflag:s4] =	ssyncset.s32 $0xFFFFF086  }
0x25: {  	[simem:s6], [sflag:s4] =	dma.local [hbm:s3], $0xF7A  }
0x26: {  	[smem:$0x3F9F] =	sst s1;
	(tag) =	ssettag s2;
	_ =	strace s9  }
0x27: {  	s1 =	sld [smem:$0x3FAF]  }
0x28: {  	s2 =	sld [smem:$0x3FB0]  }
0x29: {  	s4 =	sld [smem:$0x3FB2]  }
0x2a: {  	p0 =	seq.s32 s5, $0x0;
	s5 =	sld [smem:$0x3FB3]  }
0x2b: {  	s6 =	sld [smem:$0x3FB4]  }
0x2c: {  	s7 =	sld [smem:$0x3FB5]  }
0x2d: {  	s3 =	simm.s32 $0x108;
	s8 =	sld [smem:$0x3FB6]  }
0x2e: {  	s3 =	simm.s32 @!p0 $0x1082;
	s9 =	sld [smem:$0x3FB7]  }
0x2f: {  	lr =	sadd.s32 s0, s3;
	s0 =	sld [smem:$0x3FAE]  }
0x30: {  	s3 =	sld [smem:$0x3FB1]  }
0x31: {  	[smem:$0x3FBA] =	sst s10  }
0x32: {  	s10 =	sld [smem:$0x3FB8];
	_ =	sdelay $0x3  }
0x33: {  	p0 =	seq.s32 s10, $0x1;
	s10 =	sld [smem:$0x3FBA];
	_ =	sdelay $0x3  }
0x34: {  	[smem:$0x3FBA] =	sst s10  }
0x35: {  	s10 =	sld [smem:$0x3FB9];
	_ =	sdelay $0x3  }
0x36: {  	p1 =	seq.s32 s10, $0x1;
	s10 =	sld [smem:$0x3FBA];
	_ =	sdelay $0x3  }
0x37: {  	[smem:$0x3FBA] =	sst s10  }
0x38: {  	s10 =	sld [smem:$0x3FBB]  }
0x39: {  	_ = 	snop;
	(pc) =	sbr.ind lr, $3  }
0x3a: {  	_ = 	snop  }
0x3b: {  	_ = 	snop  }
0x3c: {  	p2 =	seq.s32 s10, $0x1;
	s10 =	sld [smem:$0x3FBA]  }
0x3d: {  	_ =	shalt  }
0x3e: {  	_ =	shalt  }
0x3f: {  	_ =	shalt  }
0x40: {  	_ =	shalt  }
0x41: {  	_ =	shalt  }
0x42: {  	_ =	shalt  }
0x43: {  	_ =	shalt  }
0x44: {  	_ =	shalt  }
0x45: {  	_ =	shalt  }
0x46: {  	_ =	shalt  }
0x47: {  	_ =	shalt  }
0x48: {  	_ =	shalt  }
0x49: {  	_ =	shalt  }
0x4a: {  	_ =	shalt  }
0x4b: {  	_ =	shalt  }
0x4c: {  	_ =	shalt  }
0x4d: {  	_ =	shalt  }
0x4e: {  	_ =	shalt  }
0x4f: {  	_ =	shalt  }
0x50: {  	_ =	shalt  }
0x51: {  	_ =	shalt  }
0x52: {  	_ =	shalt  }
0x53: {  	_ =	shalt  }
0x54: {  	_ =	shalt  }
0x55: {  	_ =	shalt  }
0x56: {  	_ =	shalt  }
0x57: {  	_ =	shalt  }
0x58: {  	_ =	shalt  }
0x59: {  	_ =	shalt  }
0x5a: {  	_ =	shalt  }
0x5b: {  	_ =	shalt  }
0x5c: {  	_ =	shalt  }
0x5d: {  	_ =	shalt  }
0x5e: {  	_ =	shalt  }
0x5f: {  	_ =	shalt  }
0x60: {  	_ =	shalt  }
0x61: {  	_ =	shalt  }
0x62: {  	_ =	shalt  }
0x63: {  	_ =	shalt  }
0x64: {  	_ =	shalt  }
0x65: {  	_ =	shalt  }
0x66: {  	_ =	shalt  }
0x67: {  	_ =	shalt  }
0x68: {  	_ =	shalt  }
0x69: {  	_ =	shalt  }
0x6a: {  	_ =	shalt  }
0x6b: {  	_ =	shalt  }
0x6c: {  	_ =	shalt  }
0x6d: {  	_ =	shalt  }
0x6e: {  	_ =	shalt  }
0x6f: {  	_ =	shalt  }
0x70: {  	_ =	shalt  }
0x71: {  	_ =	shalt  }
0x72: {  	_ =	shalt  }
0x73: {  	_ =	shalt  }
0x74: {  	_ =	shalt  }
0x75: {  	_ =	shalt  }
0x76: {  	_ =	shalt  }
0x77: {  	_ =	shalt  }
0x78: {  	_ =	shalt  }
0x79: {  	_ =	shalt  }
0x7a: {  	_ =	shalt  }
0x7b: {  	_ =	shalt  }
0x7c: {  	_ =	shalt  }
0x7d: {  	_ =	shalt  }
0x7e: {  	_ =	shalt  }
0x7f: {  	_ =	shalt  }
0x80: {  	_ =	shalt  }
0x81: {  	_ =	shalt  }
0x82: {  	_ =	shalt  }
0x83: {  	_ =	shalt  }
0x84: {  	_ =	shalt  }
0x85: {  	_ =	shalt  }
0x86: {  	_ =	shalt  }
0x87: {  	_ =	shalt  }
.Lfunc_end0:
.L_simem_size_0:
called_computation_lowered:
.L_overlay_start_0:
0x88: {  	s2 =	sld [smem:$0x3FD9]  }
0x89: {  	s3 =	sld [smem:$0x3FFE];
	_ =	sdelay $0x1  }
0x8a: {  	s1 =	srdreg.scid  }
0x8b: {  	s0 =	sand.u32 $0x1, s1  }
0x8c: {  	s17 =	sshll.u32 s0, $0xA;
	s2 =	sadd.s32 s3, s2  }
0x8d: {  	s2 =	sadd.s32 s2, s17  }
0x8e: {  	[smem:$0x3FC6] =	sst s2  }
0x8f: {  	_ = 	snop  }
0x90: {  	s2 =	sld [smem:$0x3FC9]  }
0x91: {  	s18 =	sld [smem:$0x3FD0];
	(tm) =	ssettm $0x1  }
0x92: {  	s4 =	sld [smem:$0x3FFB];
	_ =	sdelay $0x3  }
0x93: {  	_ =	strace s4  }
0x94: {  	s4 =	sld [smem:$0x3FFC];
	_ =	sdelay $0x3  }
0x95: {  	_ =	strace s4  }
0x96: {  	s4 =	sld [smem:$0x3FFD];
	_ =	sdelay $0x3  }
0x97: {  	_ =	strace s4  }
0x98: {  	_ =	strace $0x8FFFFFFF  }
0x99: {  	s19 =	sld [smem:$0x3FDB];
	_ =	sdelay $0x1  }
0x9a: {  	s5 =	simm.s32 $_scs_section_size  }
0x9b: {  	s6 =	simm.s32 $_size__tile_overlayer_lowered;
	s7 =	simm.s32 $_tile_overlayer_lowered  }
0x9c: {  	s22 =	simm.s32 $0x1BFF;
	s21 =	sshll.u32 s7, $0x1;
	s4 =	sadd.s32 s5, s19  }
0x9d: {  	s8 =	simm.s32 $0x0;
	s20 =	sshll.u32 s6, $0x1;
	s6 =	sadd.s32 s21, s4  }
0x9e: {  	[timem:s8], [sflag:s22] =	dma.local [hbm:s6], s20  }
0x9f: {  	_ =	swait.ge [sflag:s22], s20  }
0xa0: {  	s5 =	ssub.s32 $0x0, s20;
	[sflag:s22] =	ssyncset.done $0x0  }
0xa1: {  	[sflag:s22] =	ssyncadd.s32 s5;
	_ =	sdelay $0x1  }
0xa2: {  	s23 =	simm.s32 $0x1B8B  }
0xa3: {  	_ =	swait.ge [sflag:s23], $0x1  }
0xa4: {  	[sflag:s23] =	ssyncset.done $0x0  }
0xa5: {  	s25 =	simm.s32 $0x1B8E;
	s24 =	sld [smem:$0x3FFE];
	[sflag:s23] =	ssyncadd.s32 $0xFFFFFFFF  }
0xa6: {  	s26 =	simm.s32 $execute0_lowered;
	[smem:$0x3FD2] =	sst s25  }
0xa7: {  	s6 =	sshll.u32 s26, $0x1;
	_ =	strace $0x80000046;
	[dreg:$0x1] =	wrdreg $0xFFFFFFFF  }
0xa8: {  	s28 =	simm.s32 $_size_execute0_lowered;
	s4 =	sadd.s32 s4, s6;
	[dreg:$0x0] =	wrdreg $0x0  }
0xa9: {  	s6 =	sshll.u32 s28, $0x1;
	[dreg:$0x2] =	wrdreg s4  }
0xaa: {  	[dreg:$0x3] =	wrdreg s6  }
0xab: {  	[dreg:$0x4] =	wrdreg $0xC0  }
0xac: {  	_ =	task [dreg:s8], $0x5FFFF  }
0xad: {  	[dreg:$0x1] =	wrdreg $0xFFFFFFFF  }
0xae: {  	[dreg:$0x0] =	wrdreg $0x60  }
0xaf: {  	[dreg:$0x2] =	wrdreg s2  }
0xb0: {  	[dreg:$0x3] =	wrdreg s24  }
0xb1: {  	[dreg:$0x4] =	wrdreg s18  }
0xb2: {  	[dreg:$0x5] =	wrdreg $0x9  }
0xb3: {  	_ =	task.clear_ibuf [dreg:s8], $0x6FFFF;
	_ =	strace $0x90000046  }
0xb4: {  	s29 =	simm.s32 $0x9;
	_ =	strace $0x80000048  }
0xb5: {  	_ =	swait.ge [sflag:s29], $0x1  }
0xb6: {  	[sflag:s29] =	ssyncadd.s32 $0xFFFFFFFF  }
0xb7: {  	_ =	strace $0x90000048  }
0xb8: {  	_ =	sfence  }
0xb9: {  	s30 =	sld [smem:$0x0];
	_ =	sdelay $0x2  }
0xba: {  	s31 =	sshll.u32 s1, $0xD;
	s1 =	sshrl.u32 s1, $0x2  }
0xbb: {  	s3 =	sand.u32 $0x4000, s31;
	s1 =	sadd.s32 s1, s30  }
0xbc: {  	s0 =	sor.u32 s3, s0;
	s1 =	sshll.u32 s1, $0x11  }
0xbd: {  	s0 =	sor.u32 s1, s0  }
0xbe: {  	s0 =	sadd.s32 $0x8F2B, s0  }
0xbf: {  	[sflag:s0] =	ssyncadd.remote.s32 $0x1  }
0xc0: {  	_ =	sfence.sel $0xFFFF  }
0xc1: {  	[dreg:$0x0] =	wrdreg $0xFFFFFFFF;
	(pc) =	sbr.abs _section_cstart, $3  }
0xc2: {  	[dreg:$0x1] =	wrdreg $0xFFFFFFFF  }
0xc3: {  	_ =	task.clear_ibuf [dreg:s8], $0x2FFFF;
	_ =	strace $0x9FFFFFFF  }
0xc4: {  	(tm) =	ssettm $0x7FFFFFFF  }
0xc5: {  	_ =	shalt  }
tec
execute0_lowered:
.L_overlay_start_1:
0x0: {  	(tag) =	ssettag $0x1  }
0x1: {  	s1 =	rddreg [dreg:$0x0];
	s2 =	srdreg.scid  }
0x2: {  	s4 =	rddreg [dreg:$0x1];
	s0 =	stileid.u32  }
0x3: {  	s8 =	rddreg [dreg:$0x2];
	s11 =	simm.s32 $0x80;
	s12 =	simm.s32 $0x880  }
0x4: {  	s13 =	simm.s32 $0x1080;
	s14 =	simm.s32 $0x1880;
	s15 =	simm.s32 $0x2080  }
0x5: {  	s16 =	simm.s32 $0x2880;
	s17 =	simm.s32 $0x3080;
	s18 =	simm.s32 $0x3880  }
0x6: {  	s19 =	simm.s32 $0x4080;
	s20 =	simm.s32 $0x4880;
	s21 =	simm.s32 $0x5080  }
0x7: {  	s22 =	simm.s32 $0x5880;
	s23 =	simm.s32 $0x6080;
	s24 =	simm.s32 $0x6880  }
0x8: {  	s25 =	simm.s32 $0x7080;
	s26 =	simm.s32 $0x7880;
	s5 =	sand.u32 $0x1, s2  }
0x9: {  	s28 =	simm.s32 $0x1;
	s3 =	sshll.u32 s0, $0x6;
	s6 =	sshll.u32 s5, $0x5  }
0xa: {  	s2 =	rddreg [dreg:$0x3];
	s5 =	ssub.s32 $0x2, s5;
	s7 =	sor.u32 s6, s3  }
0xb: {  	s3 =	simm.s32 $0x0;
	s31 =	sshrl.u32 s5, $0x1;
	s6 =	sshrl.u32 s7, $0x3  }
0xc: {  	[smem:$0x7FF] =	sst s3;
	s9 =	ssub.s32 s5, s31;
	s5 =	sadd.s32 $0x100, s1  }
0xd: {  	v2 =	vlaneseq.u32;
	s10 =	sshll.u32 s7, $0x7;
	s7 =	sadd.s32 $0x300, s1;
	s4 =	sadd.s32 s6, s4  }
0xe: {  	vm0 =	vmmov $0xffff;
	v1 =	vshrl.u32 v2, $0x3;
	_ =	strace $0x80000047;
	s6 =	sadd.s32 $0x200, s1;
	s8 =	sadd.s32 s8, s10  }
0xf: {  	v0 =	vand.u32 $0x7, v2;
	v2 =	vor.u32 $0x8, v2;
	v1 =	vmul.u32 $0x8, v1;
	s9 =	smax.u32 s9, $0x1;
	s10 =	simm.s32 $0x2;
	s4 =	sadd.s32 $0x600, s4  }
.LBB2_1:
0x10: {  	[tilespmem:s3], [sflag:$0x2] =	stream.linear.gather [hbm4b:s4+s3], $0x20, $0x38;
	[tilespmem:$0x8080] =	vst v63  }
0x11: {  	_ =	swait.ge [sflag:s10], $0x20  }
0x12: {  	[sflag:s10] =	ssyncset.done $0x0  }
0x13: {  	[sflag:s10] =	ssyncadd.s32 $0xFFFFFFE0  }
0x14: {  	v3 =	vld [tilespmem:$0x0];
	_ =	sdelay $0x4  }
0x15: {  	v4 =	vshll.u32 v3, $0x3  }
0x16: {  	v3 =	vand.u32 $0x7, v3;
	v4 =	vand.u32 $0xFFFFFFC0, v4  }
0x17: {  	v3 =	vor.u32 v3, v4  }
0x18: {  	v4 =	vperm.xlane v3, v0;
	_ =	sdelay $0x1  }
0x19: {  	v4 =	vadd.s32 v1, v4;
	_ =	sdelay $0x4  }
0x1a: {  	[tilespmem:s11], [sflag:$0x1] =	stream.indirect_vreg.gather [hbm4b:s1+s3], $0x80, v4, vm0, $0xb8;
	[tilespmem:$0x8080] =	vst v63  }
0x1b: {  	v3 =	vperm.xlane v3, v2  }
0x1c: {  	[tilespmem:s12], [sflag:$0x1] =	stream.indirect_vreg.gather [hbm4b:s5+s3], $0x80, v4, vm0, $0xb8;
	[tilespmem:$0x8080] =	vst v63  }
0x1d: {  	v3 =	vadd.s32 v1, v3  }
0x1e: {  	[tilespmem:s13], [sflag:$0x1] =	stream.indirect_vreg.gather [hbm4b:s6+s3], $0x80, v4, vm0, $0xb8;
	[tilespmem:$0x8080] =	vst v63  }
0x1f: {  	_ = 	snop  }
0x20: {  	[tilespmem:s14], [sflag:$0x1] =	stream.indirect_vreg.gather [hbm4b:s7+s3], $0x80, v4, vm0, $0xb8;
	[tilespmem:$0x8080] =	vst v63  }
0x21: {  	_ = 	snop  }
0x22: {  	[tilespmem:s15], [sflag:$0x1] =	stream.indirect_vreg.gather [hbm4b:s1+s3], $0x80, v3, vm0, $0xb8;
	[tilespmem:$0x8080] =	vst v63  }
0x23: {  	_ = 	snop  }
0x24: {  	[tilespmem:s16], [sflag:$0x1] =	stream.indirect_vreg.gather [hbm4b:s5+s3], $0x80, v3, vm0, $0xb8;
	[tilespmem:$0x8080] =	vst v63  }
0x25: {  	_ = 	snop  }
0x26: {  	[tilespmem:s17], [sflag:$0x1] =	stream.indirect_vreg.gather [hbm4b:s6+s3], $0x80, v3, vm0, $0xb8;
	[tilespmem:$0x8080] =	vst v63  }
0x27: {  	_ = 	snop  }
0x28: {  	[tilespmem:s18], [sflag:$0x1] =	stream.indirect_vreg.gather [hbm4b:s7+s3], $0x80, v3, vm0, $0xb8;
	[tilespmem:$0x8080] =	vst v63  }
0x29: {  	v3 =	vld [tilespmem:$0x10];
	_ =	sdelay $0x4  }
0x2a: {  	v63 =	vshll.u32 v3, $0x3  }
0x2b: {  	v3 =	vand.u32 $0x7, v3;
	v4 =	vand.u32 $0xFFFFFFC0, v63  }
0x2c: {  	v3 =	vor.u32 v3, v4  }
0x2d: {  	v4 =	vperm.xlane v3, v0;
	_ =	sdelay $0x1  }
0x2e: {  	v4 =	vadd.s32 v1, v4;
	_ =	sdelay $0x4  }
0x2f: {  	[tilespmem:s19], [sflag:$0x1] =	stream.indirect_vreg.gather [hbm4b:s1+s3], $0x80, v4, vm0, $0xb8;
	[tilespmem:$0x8080] =	vst v63  }
0x30: {  	v3 =	vperm.xlane v3, v2  }
0x31: {  	[tilespmem:s20], [sflag:$0x1] =	stream.indirect_vreg.gather [hbm4b:s5+s3], $0x80, v4, vm0, $0xb8;
	[tilespmem:$0x8080] =	vst v63  }
0x32: {  	v3 =	vadd.s32 v1, v3  }
0x33: {  	[tilespmem:s21], [sflag:$0x1] =	stream.indirect_vreg.gather [hbm4b:s6+s3], $0x80, v4, vm0, $0xb8;
	[tilespmem:$0x8080] =	vst v63  }
0x34: {  	_ = 	snop  }
0x35: {  	[tilespmem:s22], [sflag:$0x1] =	stream.indirect_vreg.gather [hbm4b:s7+s3], $0x80, v4, vm0, $0xb8;
	[tilespmem:$0x8080] =	vst v63  }
0x36: {  	_ = 	snop  }
0x37: {  	[tilespmem:s23], [sflag:$0x1] =	stream.indirect_vreg.gather [hbm4b:s1+s3], $0x80, v3, vm0, $0xb8;
	[tilespmem:$0x8080] =	vst v63  }
0x38: {  	_ = 	snop  }
0x39: {  	[tilespmem:s24], [sflag:$0x1] =	stream.indirect_vreg.gather [hbm4b:s5+s3], $0x80, v3, vm0, $0xb8;
	[tilespmem:$0x8080] =	vst v63  }
0x3a: {  	_ = 	snop  }
0x3b: {  	[tilespmem:s25], [sflag:$0x1] =	stream.indirect_vreg.gather [hbm4b:s6+s3], $0x80, v3, vm0, $0xb8;
	[tilespmem:$0x8080] =	vst v63  }
0x3c: {  	_ = 	snop  }
0x3d: {  	[tilespmem:s26], [sflag:$0x1] =	stream.indirect_vreg.gather [hbm4b:s7+s3], $0x80, v3, vm0, $0xb8;
	[tilespmem:$0x8080] =	vst v63  }
0x3e: {  	_ =	swait.ge [sflag:s28], $0x8000  }
0x3f: {  	p0 =	sne.s32 s9, $0x1;
	[sflag:s28] =	ssyncset.done $0x0  }
.Ltmp0:
0x40: {  	[sflag:s28] =	ssyncadd.s32 $0xFFFF8000;
	(pc) =	sbr.rel @p0 .LBB2_1-.Ltmp0, $4  }
0x41: {  	[hbm4b:s8+s3] =	stream.linear.scatter [tilespmem:s11], [sflag:$0x2], $0x8000, $0x38;
	[tilespmem:$0x8080] =	vst v63  }
0x42: {  	_ =	swait.ge [sflag:s10], $0x8000  }
0x43: {  	[sflag:s10] =	ssyncset.done $0x0  }
0x44: {  	s9 =	sadd.s32 $0xFFFFFFFF, s9;
	[sflag:s10] =	ssyncadd.s32 $0xFFFF8000  }
0x45: {  	_ =	sfence.sel $0x180000  }
0x46: {  	[bflag:$0x0] =	sbarrier.arrive $0xFFFF  }
0x47: {  	p0 =	sne.s32 s0, $0x0;
	_ =	strace $0x90000047  }
0x48: {  	s0 =	sadd.s32 @!p0 $0x100000, s2;
	[bflag:$0x2] =	sbarrier.arrive $0xFFFF  }
0x49: {  	[sflag:s0] =	ssyncadd.tile.s32 @!p0 $0x1;
	_ =	shalt  }
.Lfunc_end2:
_tile_overlayer_lowered:
.L_overlay_start_2:
0x4a: {  	(tag) =	ssettag $0x2  }
0x4b: {  	s0 =	rddreg [dreg:$0x0];
	s2 =	stileid.u32  }
0x4c: {  	s1 =	rddreg [dreg:$0x1];
	p0 =	sne.s32 s2, $0x0  }
0x4d: {  	s3 =	rddreg [dreg:$0x2];
	[bflag:$0x3] =	sbarrier.arrive $0xFFFF;
	s2 =	simm.s32 @!p0 $0x1C02  }
0x4e: {  	[timem:s3], [sflag:s2] =	dma.local @!p0 [hbm:s0], s1  }
0x4f: {  	s0 =	simm.s32 @!p0 $0x2  }
0x50: {  	_ =	swait.ge @!p0 [sflag:s0], s1  }
0x51: {  	s1 =	ssub.s32 @!p0 $0x0, s1;
	[sflag:s0] =	ssyncset.done @!p0 $0x0  }
0x52: {  	[sflag:s0] =	ssyncadd.s32 @!p0 s1  }
0x53: {  	[bflag:$0x3] =	sbarrier.arrive $0xFFFF  }
0x54: {  	_ =	shalt  }

</sc_bundles>
